<compile_context>
chip_gen: v7x
topology: tpu7x:2x2x1
jax: 0.10.2.dev20260603
libtpu: 0.0.44.dev20260713+nightly
codegen_flags: <defaults>
</compile_context>

<pallas_src>
import functools

import jax
import jax.numpy as jnp
import numpy as np
from jax import lax
from jax.experimental import pallas as pl
from jax.experimental.pallas import tpu as pltpu
from jax.experimental.pallas import tpu_sc as plsc

_B, _N, _CIN = 8, 4096, 32
_S = 1024
_RAD = 0.4
_NS = 32
_D = 128
_NC, _NSUB, _L = 2, 16, 16
_NW = _NC * _NSUB
_SEG = _S * _B // _NW
_CBLK = 128


def _fps_kernel(xyzT_ref, out_ref):
    arr = xyzT_ref[...]
    xyz24 = arr.reshape(3 * _B, _N)
    x = xyz24[0:_B]
    y = xyz24[_B:2 * _B]
    z = xyz24[2 * _B:3 * _B]
    iota = lax.broadcasted_iota(jnp.int32, (_B, _N), 1)
    jlane = lax.broadcasted_iota(jnp.int32, (1, 24), 1)
    isub = lax.broadcasted_iota(jnp.int32, (_B, 24), 0)
    eyef = (jlane % _B == isub).astype(jnp.float32)

    def step(t, carry):
        dists, far = carry
        sel = iota == far
        self = sel.astype(jnp.float32)
        mm = lax.dot_general(self, xyz24, (((1,), (1,)), ((), ())),
                             preferred_element_type=jnp.float32,
                             precision=lax.Precision.HIGHEST)
        row = jnp.sum(mm * eyef, axis=0, keepdims=True)
        out_ref[pl.ds(t, 1), :] = row
        cx = jnp.sum(jnp.where(sel, x, 0.0), axis=1, keepdims=True)
        cy = jnp.sum(jnp.where(sel, y, 0.0), axis=1, keepdims=True)
        cz = jnp.sum(jnp.where(sel, z, 0.0), axis=1, keepdims=True)
        dx = x - cx
        dy = y - cy
        dz = z - cz
        d = dx * dx + dy * dy + dz * dz
        dists = jnp.minimum(dists, d)
        m = jnp.max(dists, axis=1, keepdims=True)
        far = jnp.min(jnp.where(dists == m, iota, _N), axis=1, keepdims=True)
        return dists, far.astype(jnp.int32)

    init = (jnp.full((_B, _N), 1e10, jnp.float32), jnp.zeros((_B, 1), jnp.int32))
    lax.fori_loop(0, _S, step, init)


_fps_call = pl.pallas_call(
    _fps_kernel,
    out_shape=jax.ShapeDtypeStruct((_S, 24), jnp.float32),
)


_R2 = np.float32(_RAD * _RAD)


def _bf16_round(v):
    u = plsc.bitcast(v, jnp.uint32)
    r = (u + jnp.uint32(0x7FFF) + ((u >> jnp.uint32(16)) & jnp.uint32(1)))
    return plsc.bitcast(r & jnp.uint32(0xFFFF0000), jnp.float32)


@functools.lru_cache(maxsize=None)
def _make_sc_group():
  mesh = plsc.VectorSubcoreMesh(core_axis_name="c", subcore_axis_name="s",
                                num_cores=_NC, num_subcores=_NSUB)

  @functools.partial(
    pl.kernel,
    out_type=jax.ShapeDtypeStruct((_B * _S * _NS, _D), jnp.float32),
    mesh=mesh,
    scratch_types=[
        pltpu.VMEM((_N,), jnp.float32),
        pltpu.VMEM((_N,), jnp.float32),
        pltpu.VMEM((_N,), jnp.float32),
        pltpu.VMEM((_N,), jnp.float32),
        pltpu.VMEM((_N,), jnp.float32),
        pltpu.VMEM((_N,), jnp.float32),
        pltpu.VMEM((_N,), jnp.float32),
        pltpu.VMEM((_SEG,), jnp.float32),
        pltpu.VMEM((_SEG,), jnp.float32),
        pltpu.VMEM((_SEG,), jnp.float32),
        pltpu.VMEM((_SEG * _NS,), jnp.int32),
        pltpu.VMEM((128, _D), jnp.float32),
        pltpu.VMEM((128, _D), jnp.float32),
        pltpu.SemaphoreType.DMA,
        pltpu.SemaphoreType.DMA,
    ],
    compiler_params=pltpu.CompilerParams(needs_layout_passes=False,
                                         use_tc_tiling_on_sc=False),
  )
  def _sc_group(xf, yf, zf, cxf, cyf, czf,
                tbl, g_out, xv, yv, zv, xbv, ybv, zbv, p2v,
                cxv, cyv, czv, idxv, rows, rows2, sem, sem2):
    wid = lax.axis_index("s") * _NC + lax.axis_index("c")
    b = wid // (_NW // _B)
    seg = wid % (_NW // _B)
    cbase = b * _S + seg * _SEG
    gbase = b * _N
    pltpu.sync_copy(xf.at[pl.ds(b * _N, _N)], xv)
    pltpu.sync_copy(yf.at[pl.ds(b * _N, _N)], yv)
    pltpu.sync_copy(zf.at[pl.ds(b * _N, _N)], zv)
    pltpu.sync_copy(cxf.at[pl.ds(cbase, _SEG)], cxv)
    pltpu.sync_copy(cyf.at[pl.ds(cbase, _SEG)], cyv)
    pltpu.sync_copy(czf.at[pl.ds(cbase, _SEG)], czv)

    iota16 = lax.iota(jnp.int32, 16)

    def p2_body(j, _):
        xs = xv[pl.ds(j * 16, 16)]
        ys = yv[pl.ds(j * 16, 16)]
        zs = zv[pl.ds(j * 16, 16)]
        p2v[pl.ds(j * 16, 16)] = (xs * xs + ys * ys) + zs * zs
        xbv[pl.ds(j * 16, 16)] = _bf16_round(xs)
        ybv[pl.ds(j * 16, 16)] = _bf16_round(ys)
        zbv[pl.ds(j * 16, 16)] = _bf16_round(zs)
        return 0

    lax.fori_loop(0, _N // 16, p2_body, 0)

    def center_body(s, _):
        sidx = jnp.full((16,), s, jnp.int32)
        cxs = plsc.load_gather(cxv, [sidx])
        cys = plsc.load_gather(cyv, [sidx])
        czs = plsc.load_gather(czv, [sidx])
        cxb = _bf16_round(cxs)
        cyb = _bf16_round(cys)
        czb = _bf16_round(czs)
        c2s = (cxs * cxs + cys * cys) + czs * czs

        def cond(carry):
            j, cnt = carry
            return jnp.logical_and(cnt < _NS, j < _N // 64)

        def body(carry):
            j, cnt = carry
            base = j * 64
            ms = []
            pcs = []
            for k in range(4):
                xs = xbv[pl.ds(base + k * 16, 16)]
                ys = ybv[pl.ds(base + k * 16, 16)]
                zs = zbv[pl.ds(base + k * 16, 16)]
                p2 = p2v[pl.ds(base + k * 16, 16)]
                dot = xs * cxb + ys * cyb + zs * czb
                sq = (c2s + p2) - 2.0 * dot
                m = sq <= _R2
                ms.append(m)
                pcs.append(plsc.all_reduce_population_count(m)[0])

            total = (pcs[0] + pcs[1]) + (pcs[2] + pcs[3])

            @pl.when(total > 0)
            def _():
                c = cnt
                for k in range(4):
                    pos = plsc.cumsum(ms[k].astype(jnp.int32))
                    slot = (s * _NS + c - 1) + pos
                    wm = jnp.logical_and(ms[k], (c + pos) <= _NS)
                    ivec = (gbase + base + k * 16) + iota16
                    plsc.store_scatter(idxv, [slot], ivec, mask=wm)
                    c = c + pcs[k]

            return j + 1, cnt + total

        _, cfin = lax.while_loop(cond, body, (jnp.int32(0), jnp.int32(0)))

        first = plsc.load_gather(idxv, [jnp.full((16,), s * _NS, jnp.int32)])
        first = jnp.where(jnp.full((16,), cfin, jnp.int32) > 0, first,
                          jnp.full((16,), gbase, jnp.int32))
        for h in range(_NS // 16):
            lanes = h * 16 + iota16
            plsc.store_scatter(idxv, [s * _NS + lanes], first,
                               mask=lanes >= cfin)
        return 0

    lax.fori_loop(0, _SEG, center_body, 0)

    nchunk = _SEG * _NS // 128

    def _start(i, buf, s):
        pltpu.async_copy(tbl.at[idxv.at[pl.ds(i * 128, 128)]], buf, s)

    _start(0, rows, sem)

    def gather_body(t, _):
        i = t * 2
        _start(i + 1, rows2, sem2)
        pltpu.make_async_copy(tbl.at[idxv.at[pl.ds(i * 128, 128)]], rows,
                              sem).wait()
        pltpu.sync_copy(rows, g_out.at[pl.ds(cbase * _NS + i * 128, 128)])

        @pl.when(t + 1 < nchunk // 2)
        def _():
            _start(i + 2, rows, sem)

        pltpu.make_async_copy(tbl.at[idxv.at[pl.ds((i + 1) * 128, 128)]],
                              rows2, sem2).wait()
        pltpu.sync_copy(rows2, g_out.at[pl.ds(cbase * _NS + (i + 1) * 128, 128)])
        return 0

    lax.fori_loop(0, nchunk // 2, gather_body, 0)

  return _sc_group


def _mlp_kernel(g_ref, nx_ref, w1_ref, b1_ref, w2_ref, b2_ref, w3_ref, b3_ref,
                out_ref):
    g = g_ref[...]
    nx = nx_ref[...]
    w1 = w1_ref[...]
    bc = b1_ref[...] - lax.dot_general(nx, w1[0:3, :], (((1,), (0,)), ((), ())),
                                       preferred_element_type=jnp.float32)
    bcr = jnp.broadcast_to(bc[:, None, :], (_CBLK, _NS, 32)).reshape(
        _CBLK * _NS, 32)
    h = jnp.maximum(jnp.dot(g, w1, preferred_element_type=jnp.float32) + bcr, 0.0)
    h = jnp.maximum(jnp.dot(h, w2_ref[...], preferred_element_type=jnp.float32)
                    + b2_ref[...], 0.0)
    h = jnp.maximum(jnp.dot(h, w3_ref[...], preferred_element_type=jnp.float32)
                    + b3_ref[...], 0.0)
    pooled = jnp.max(h.reshape(_CBLK, _NS, 64), axis=1)
    out_ref[...] = pooled.T[None]


_mlp_call = pl.pallas_call(
    _mlp_kernel,
    grid=(_B * _S // _CBLK,),
    in_specs=[
        pl.BlockSpec((_CBLK * _NS, _D), lambda i: (i, 0)),
        pl.BlockSpec((_CBLK, 3), lambda i: (i, 0)),
        pl.BlockSpec((_D, 32), lambda i: (0, 0)),
        pl.BlockSpec((1, 32), lambda i: (0, 0)),
        pl.BlockSpec((32, 32), lambda i: (0, 0)),
        pl.BlockSpec((1, 32), lambda i: (0, 0)),
        pl.BlockSpec((32, 64), lambda i: (0, 0)),
        pl.BlockSpec((1, 64), lambda i: (0, 0)),
    ],
    out_specs=pl.BlockSpec((1, 64, _CBLK),
                           lambda i: (i // (_S // _CBLK), 0, i % (_S // _CBLK))),
    out_shape=jax.ShapeDtypeStruct((_B, 64, _S), jnp.float32),
)


def kernel(xyz, features, W1, b1, W2, b2, W3, b3):
    xyzT = jnp.transpose(xyz, (2, 0, 1))
    fps = _fps_call(xyzT)
    cx = fps[:, 0:_B].T
    cy = fps[:, _B:2 * _B].T
    cz = fps[:, 2 * _B:3 * _B].T
    new_xyz = jnp.stack([cx, cy, cz], axis=-1)

    tbl = jnp.concatenate(
        [xyz, features, jnp.zeros((_B, _N, _D - 3 - _CIN), jnp.float32)],
        axis=-1).reshape(_B * _N, _D)
    g = _make_sc_group()(xyzT[0].reshape(-1), xyzT[1].reshape(-1),
                         xyzT[2].reshape(-1),
                         cx.reshape(-1), cy.reshape(-1), cz.reshape(-1),
                         tbl)

    W1p = jnp.concatenate([W1, jnp.zeros((_D - 35, 32), jnp.float32)], axis=0)
    new_features = _mlp_call(g, new_xyz.reshape(_B * _S, 3), W1p,
                             b1.reshape(1, 32), W2, b2.reshape(1, 32),
                             W3, b3.reshape(1, 64))
    return new_xyz, new_features

# --- scband reference (transcript-rebuilt; emitter-appended) ---
"""Pipeline reference for scband-pointnet-samodule-base-4209067950518 (READ-ONLY COPY).

The authoritative reference and input builder live on the scoring server;
editing this copy changes nothing except your own understanding.
"""

import jax, jax.numpy as jnp
import numpy as np

B, N, C_IN = 8, 4096, 32
NPOINT = 1024
RADIUS = 0.4
NSAMPLE = 32
# SharedMLP channels: in = 3 + C_IN = 35 -> 32 -> 32 -> 64 (1x1 convs + BN(eval, identity) + ReLU)
C0, C1, C2, C3 = 35, 32, 32, 64


def furthest_point_sample(xyz, npoint):
    # xyz: (B, N, 3). Matches pointnet2_utils.furthest_point_sample (starts at index 0).
    b, n, _ = xyz.shape
    def step(carry, _):
        dists, farthest = carry
        centroid = jnp.take_along_axis(xyz, farthest[:, None, None], axis=1)  # (B,1,3)
        d = jnp.sum((xyz - centroid) ** 2, axis=-1)  # (B,N)
        dists = jnp.minimum(dists, d)
        nxt = jnp.argmax(dists, axis=-1).astype(jnp.int32)
        return (dists, nxt), farthest
    init = (jnp.full((b, n), 1e10, dtype=jnp.float32), jnp.zeros((b,), dtype=jnp.int32))
    _, idxs = jax.lax.scan(step, init, None, length=npoint)  # (npoint, B)
    return jnp.transpose(idxs, (1, 0))  # (B, npoint)


def ball_query(radius, nsample, xyz, new_xyz):
    # Matches pointnet2_utils.ball_query: first nsample pts within radius, padded with first hit.
    b, n, _ = xyz.shape
    sq = (jnp.sum(new_xyz ** 2, -1)[:, :, None]
          + jnp.sum(xyz ** 2, -1)[:, None, :]
          - 2.0 * jnp.einsum('bsd,bnd->bsn', new_xyz, xyz))  # (B,S,N)
    mask = sq <= radius * radius
    arange = jnp.arange(n, dtype=jnp.int32)
    cand = jnp.where(mask, arange[None, None, :], n).astype(jnp.int32)  # invalid -> n
    neg_top, _ = jax.lax.top_k(-cand, nsample)  # smallest nsample indices
    cand = -neg_top  # ascending order, like CUDA kernel scan order
    first = cand[:, :, :1]
    idx = jnp.where(cand == n, jnp.broadcast_to(first, cand.shape), cand)
    idx = jnp.where(idx == n, 0, idx)  # empty-ball guard (cannot happen: center is its own neighbor)
    return idx


def gather_points(points, idx):
    # points (B,N,C), idx (B,S,ns) -> (B,S,ns,C)
    return jax.vmap(lambda p, i: p[i])(points, idx)


def setup_inputs(seed: int = 0) -> dict:
    key = jax.random.key(seed)
    ks = jax.random.split(key, 8)
    xyz = jax.random.normal(ks[0], (B, N, 3), dtype=jnp.float32)
    features = jax.random.normal(ks[1], (B, N, C_IN), dtype=jnp.float32)
    W1 = jax.random.normal(ks[2], (C0, C1), dtype=jnp.float32) / np.sqrt(C0)
    b1 = jnp.zeros((C1,), dtype=jnp.float32)
    W2 = jax.random.normal(ks[3], (C1, C2), dtype=jnp.float32) / np.sqrt(C1)
    b2 = jnp.zeros((C2,), dtype=jnp.float32)
    W3 = jax.random.normal(ks[4], (C2, C3), dtype=jnp.float32) / np.sqrt(C2)
    b3 = jnp.zeros((C3,), dtype=jnp.float32)
    return {"xyz": xyz, "features": features, "W1": W1, "b1": b1, "W2": W2, "b2": b2, "W3": W3, "b3": b3}


def reference(xyz, features, W1, b1, W2, b2, W3, b3):
    # furthest_point_sample + gather_operation (new_xyz)
    fps_idx = furthest_point_sample(jax.lax.stop_gradient(xyz), NPOINT)  # (B,S) int32, no grad (matches CUDA op)
    new_xyz = jnp.take_along_axis(xyz, fps_idx[..., None], axis=1)  # (B,S,3)
    # grouper: QueryAndGroup(radius, nsample, use_xyz=True)
    idx = ball_query(RADIUS, NSAMPLE, jax.lax.stop_gradient(xyz), jax.lax.stop_gradient(new_xyz))  # (B,S,ns)
    grouped_xyz = gather_points(xyz, idx) - new_xyz[:, :, None, :]  # (B,S,ns,3)
    grouped_feats = gather_points(features, idx)  # (B,S,ns,C_IN)
    g = jnp.concatenate([grouped_xyz, grouped_feats], axis=-1)  # (B,S,ns,3+C_IN)
    # SharedMLP (1x1 conv + BN(eval identity) + ReLU) x3
    h = jax.nn.relu(g @ W1 + b1)
    h = jax.nn.relu(h @ W2 + b2)
    h = jax.nn.relu(h @ W3 + b3)  # (B,S,ns,64)
    # max_pool2d over nsample then squeeze
    pooled = jnp.max(h, axis=2)  # (B,S,64)
    new_features = jnp.transpose(pooled, (0, 2, 1))  # (B,64,S) = cat over single grouper
    return new_xyz, new_features

if __name__ == "__main__":
    import jax
    _d = setup_inputs()
    print(jax.jit(kernel)(*tuple(_d.values())))

</pallas_src>

<mosaic_0001>
#map = affine_map<(d0, d1) -> (0)>
#map1 = affine_map<(d0, d1) -> (0, 0)>
module attributes {stable_mosaic.version = 14 : i64} {
  func.func @_sc_group(%arg0: i32, %arg1: i32, %arg2: memref<32768xf32, #tpu.memory_space<hbm>>, %arg3: memref<32768xf32, #tpu.memory_space<hbm>>, %arg4: memref<32768xf32, #tpu.memory_space<hbm>>, %arg5: memref<8192xf32, #tpu.memory_space<hbm>>, %arg6: memref<8192xf32, #tpu.memory_space<hbm>>, %arg7: memref<8192xf32, #tpu.memory_space<hbm>>, %arg8: memref<32768x128xf32, #tpu.memory_space<hbm>>, %arg9: memref<262144x128xf32, #tpu.memory_space<hbm>>, %arg10: memref<4096xf32, #tpu.memory_space<vmem>>, %arg11: memref<4096xf32, #tpu.memory_space<vmem>>, %arg12: memref<4096xf32, #tpu.memory_space<vmem>>, %arg13: memref<4096xf32, #tpu.memory_space<vmem>>, %arg14: memref<4096xf32, #tpu.memory_space<vmem>>, %arg15: memref<4096xf32, #tpu.memory_space<vmem>>, %arg16: memref<4096xf32, #tpu.memory_space<vmem>>, %arg17: memref<256xf32, #tpu.memory_space<vmem>>, %arg18: memref<256xf32, #tpu.memory_space<vmem>>, %arg19: memref<256xf32, #tpu.memory_space<vmem>>, %arg20: memref<8192xi32, #tpu.memory_space<vmem>>, %arg21: memref<128x128xf32, #tpu.memory_space<vmem>>, %arg22: memref<128x128xf32, #tpu.memory_space<vmem>>, %arg23: memref<!tpu.dma_semaphore, #tpu.memory_space<semaphore_mem>>, %arg24: memref<!tpu.dma_semaphore, #tpu.memory_space<semaphore_mem>>) attributes {dimension_semantics = [#tpu.dimension_semantics<core_parallel>, #tpu.dimension_semantics<subcore_parallel>], iteration_bounds = array<i64: 2, 16>, scalar_prefetch = 0 : i64, scratch_operands = 15 : i64, tpu.core_type = #tpu.core_type<sc_vector_subcore>, window_params = [{transform_indices = #map}, {transform_indices = #map}, {transform_indices = #map}, {transform_indices = #map}, {transform_indices = #map}, {transform_indices = #map}, {transform_indices = #map1}, {transform_indices = #map1}]} {
    %mul3A = arith.constant 2 : i32
    %mul3A_0 = arith.muli %arg1, %mul3A : i32
    %add3A = arith.addi %mul3A_0, %arg0 : i32
    %jit3A = arith.constant 4 : i32
    %div3A = arith.divsi %add3A, %jit3A : i32
    %sign3A = arith.constant 0 : i32
    %sign3A_1 = arith.cmpi sgt, %add3A, %sign3A : i32
    %sign3A_2 = arith.extui %sign3A_1 : i1 to i32
    %sign3A_3 = arith.constant 0 : i32
    %sign3A_4 = arith.cmpi slt, %add3A, %sign3A_3 : i32
    %sign3A_5 = arith.extui %sign3A_4 : i1 to i32
    %sign3A_6 = arith.subi %sign3A_2, %sign3A_5 : i32
    %sign3A_7 = arith.constant 0 : i32
    %sign3A_8 = arith.cmpi sgt, %jit3A, %sign3A_7 : i32
    %sign3A_9 = arith.extui %sign3A_8 : i1 to i32
    %sign3A_10 = arith.constant 0 : i32
    %sign3A_11 = arith.cmpi slt, %jit3A, %sign3A_10 : i32
    %sign3A_12 = arith.extui %sign3A_11 : i1 to i32
    %sign3A_13 = arith.subi %sign3A_9, %sign3A_12 : i32
    %ne3A = arith.cmpi ne, %sign3A_6, %sign3A_13 : i32
    %rem3A = arith.remsi %add3A, %jit3A : i32
    %ne3A_14 = arith.constant 0 : i32
    %ne3A_15 = arith.cmpi ne, %rem3A, %ne3A_14 : i32
    %and3A = arith.andi %ne3A, %ne3A_15 : i1
    %sub3A = arith.constant 1 : i32
    %sub3A_16 = arith.subi %div3A, %sub3A : i32
    %select_n3A = arith.select %and3A, %sub3A_16, %div3A : i32
    %jit3A_17 = arith.constant 4 : i32
    %eq3A = arith.constant 0 : i32
    %eq3A_18 = arith.cmpi eq, %jit3A_17, %eq3A : i32
    %jit3A_19 = arith.constant 1 : i32
    %select_n3A_20 = arith.select %eq3A_18, %jit3A_19, %jit3A_17 : i32
    %rem3A_21 = arith.remsi %add3A, %select_n3A_20 : i32
    %ne3A_22 = arith.constant 0 : i32
    %ne3A_23 = arith.cmpi ne, %rem3A_21, %ne3A_22 : i32
    %lt3A = arith.constant 0 : i32
    %lt3A_24 = arith.cmpi slt, %rem3A_21, %lt3A : i32
    %lt3A_25 = arith.constant 0 : i32
    %lt3A_26 = arith.cmpi slt, %select_n3A_20, %lt3A_25 : i32
    %ne3A_27 = arith.xori %lt3A_24, %lt3A_26 : i1
    %and3A_28 = arith.andi %ne3A_27, %ne3A_23 : i1
    %add3A_29 = arith.addi %rem3A_21, %select_n3A_20 : i32
    %select_n3A_30 = arith.select %and3A_28, %add3A_29, %rem3A_21 : i32
    %mul3A_31 = arith.constant 1024 : i32
    %mul3A_32 = arith.muli %select_n3A, %mul3A_31 : i32
    %mul3A_33 = arith.constant 256 : i32
    %mul3A_34 = arith.muli %select_n3A_30, %mul3A_33 : i32
    %add3A_35 = arith.addi %mul3A_32, %mul3A_34 : i32
    %mul3A_36 = arith.constant 4096 : i32
    %mul3A_37 = arith.muli %select_n3A, %mul3A_36 : i32
    %mul3A_38 = arith.constant 4096 : i32
    %mul3A_39 = arith.muli %select_n3A, %mul3A_38 : i32
    "tpu.region"() ({
      %run_scoped3A = tpu.sem_alloc : memref<!tpu.dma_semaphore, #tpu.memory_space<semaphore_mem>>
      %dma_start3A_68 = tpu.memref_slice %arg2[%mul3A_39] : memref<32768xf32, #tpu.memory_space<hbm>> -> memref<4096xf32, #tpu.memory_space<hbm>>
      %dma_start3A_69 = tpu.memref_slice %arg2[%mul3A_39] : memref<32768xf32, #tpu.memory_space<hbm>> -> memref<4096xf32, #tpu.memory_space<hbm>>
      tpu.enqueue_dma source(%dma_start3A_69 : memref<4096xf32, #tpu.memory_space<hbm>>) target(%arg10 : memref<4096xf32, #tpu.memory_space<vmem>>) target_semaphore(%run_scoped3A : memref<!tpu.dma_semaphore, #tpu.memory_space<semaphore_mem>>)
      %dma_wait3A = tpu.memref_slice %arg2[%mul3A_39] : memref<32768xf32, #tpu.memory_space<hbm>> -> memref<4096xf32, #tpu.memory_space<hbm>>
      %dma_wait3A_70 = tpu.memref_slice %arg2[%mul3A_39] : memref<32768xf32, #tpu.memory_space<hbm>> -> memref<4096xf32, #tpu.memory_space<hbm>>
      tpu.wait_dma2 semaphore(%run_scoped3A : memref<!tpu.dma_semaphore, #tpu.memory_space<semaphore_mem>>) src(%dma_wait3A_70 : memref<4096xf32, #tpu.memory_space<hbm>>) dst(%arg10 : memref<4096xf32, #tpu.memory_space<vmem>>)
      tpu.yield
    }) : () -> ()
    %mul3A_40 = arith.constant 4096 : i32
    %mul3A_41 = arith.muli %select_n3A, %mul3A_40 : i32
    "tpu.region"() ({
      %run_scoped3A = tpu.sem_alloc : memref<!tpu.dma_semaphore, #tpu.memory_space<semaphore_mem>>
      %dma_start3A_68 = tpu.memref_slice %arg3[%mul3A_41] : memref<32768xf32, #tpu.memory_space<hbm>> -> memref<4096xf32, #tpu.memory_space<hbm>>
      %dma_start3A_69 = tpu.memref_slice %arg3[%mul3A_41] : memref<32768xf32, #tpu.memory_space<hbm>> -> memref<4096xf32, #tpu.memory_space<hbm>>
      tpu.enqueue_dma source(%dma_start3A_69 : memref<4096xf32, #tpu.memory_space<hbm>>) target(%arg11 : memref<4096xf32, #tpu.memory_space<vmem>>) target_semaphore(%run_scoped3A : memref<!tpu.dma_semaphore, #tpu.memory_space<semaphore_mem>>)
      %dma_wait3A = tpu.memref_slice %arg3[%mul3A_41] : memref<32768xf32, #tpu.memory_space<hbm>> -> memref<4096xf32, #tpu.memory_space<hbm>>
      %dma_wait3A_70 = tpu.memref_slice %arg3[%mul3A_41] : memref<32768xf32, #tpu.memory_space<hbm>> -> memref<4096xf32, #tpu.memory_space<hbm>>
      tpu.wait_dma2 semaphore(%run_scoped3A : memref<!tpu.dma_semaphore, #tpu.memory_space<semaphore_mem>>) src(%dma_wait3A_70 : memref<4096xf32, #tpu.memory_space<hbm>>) dst(%arg11 : memref<4096xf32, #tpu.memory_space<vmem>>)
      tpu.yield
    }) : () -> ()
    %mul3A_42 = arith.constant 4096 : i32
    %mul3A_43 = arith.muli %select_n3A, %mul3A_42 : i32
    "tpu.region"() ({
      %run_scoped3A = tpu.sem_alloc : memref<!tpu.dma_semaphore, #tpu.memory_space<semaphore_mem>>
      %dma_start3A_68 = tpu.memref_slice %arg4[%mul3A_43] : memref<32768xf32, #tpu.memory_space<hbm>> -> memref<4096xf32, #tpu.memory_space<hbm>>
      %dma_start3A_69 = tpu.memref_slice %arg4[%mul3A_43] : memref<32768xf32, #tpu.memory_space<hbm>> -> memref<4096xf32, #tpu.memory_space<hbm>>
      tpu.enqueue_dma source(%dma_start3A_69 : memref<4096xf32, #tpu.memory_space<hbm>>) target(%arg12 : memref<4096xf32, #tpu.memory_space<vmem>>) target_semaphore(%run_scoped3A : memref<!tpu.dma_semaphore, #tpu.memory_space<semaphore_mem>>)
      %dma_wait3A = tpu.memref_slice %arg4[%mul3A_43] : memref<32768xf32, #tpu.memory_space<hbm>> -> memref<4096xf32, #tpu.memory_space<hbm>>
      %dma_wait3A_70 = tpu.memref_slice %arg4[%mul3A_43] : memref<32768xf32, #tpu.memory_space<hbm>> -> memref<4096xf32, #tpu.memory_space<hbm>>
      tpu.wait_dma2 semaphore(%run_scoped3A : memref<!tpu.dma_semaphore, #tpu.memory_space<semaphore_mem>>) src(%dma_wait3A_70 : memref<4096xf32, #tpu.memory_space<hbm>>) dst(%arg12 : memref<4096xf32, #tpu.memory_space<vmem>>)
      tpu.yield
    }) : () -> ()
    "tpu.region"() ({
      %run_scoped3A = tpu.sem_alloc : memref<!tpu.dma_semaphore, #tpu.memory_space<semaphore_mem>>
      %dma_start3A_68 = tpu.memref_slice %arg5[%add3A_35] : memref<8192xf32, #tpu.memory_space<hbm>> -> memref<256xf32, #tpu.memory_space<hbm>>
      %dma_start3A_69 = tpu.memref_slice %arg5[%add3A_35] : memref<8192xf32, #tpu.memory_space<hbm>> -> memref<256xf32, #tpu.memory_space<hbm>>
      tpu.enqueue_dma source(%dma_start3A_69 : memref<256xf32, #tpu.memory_space<hbm>>) target(%arg17 : memref<256xf32, #tpu.memory_space<vmem>>) target_semaphore(%run_scoped3A : memref<!tpu.dma_semaphore, #tpu.memory_space<semaphore_mem>>)
      %dma_wait3A = tpu.memref_slice %arg5[%add3A_35] : memref<8192xf32, #tpu.memory_space<hbm>> -> memref<256xf32, #tpu.memory_space<hbm>>
      %dma_wait3A_70 = tpu.memref_slice %arg5[%add3A_35] : memref<8192xf32, #tpu.memory_space<hbm>> -> memref<256xf32, #tpu.memory_space<hbm>>
      tpu.wait_dma2 semaphore(%run_scoped3A : memref<!tpu.dma_semaphore, #tpu.memory_space<semaphore_mem>>) src(%dma_wait3A_70 : memref<256xf32, #tpu.memory_space<hbm>>) dst(%arg17 : memref<256xf32, #tpu.memory_space<vmem>>)
      tpu.yield
    }) : () -> ()
    "tpu.region"() ({
      %run_scoped3A = tpu.sem_alloc : memref<!tpu.dma_semaphore, #tpu.memory_space<semaphore_mem>>
      %dma_start3A_68 = tpu.memref_slice %arg6[%add3A_35] : memref<8192xf32, #tpu.memory_space<hbm>> -> memref<256xf32, #tpu.memory_space<hbm>>
      %dma_start3A_69 = tpu.memref_slice %arg6[%add3A_35] : memref<8192xf32, #tpu.memory_space<hbm>> -> memref<256xf32, #tpu.memory_space<hbm>>
      tpu.enqueue_dma source(%dma_start3A_69 : memref<256xf32, #tpu.memory_space<hbm>>) target(%arg18 : memref<256xf32, #tpu.memory_space<vmem>>) target_semaphore(%run_scoped3A : memref<!tpu.dma_semaphore, #tpu.memory_space<semaphore_mem>>)
      %dma_wait3A = tpu.memref_slice %arg6[%add3A_35] : memref<8192xf32, #tpu.memory_space<hbm>> -> memref<256xf32, #tpu.memory_space<hbm>>
      %dma_wait3A_70 = tpu.memref_slice %arg6[%add3A_35] : memref<8192xf32, #tpu.memory_space<hbm>> -> memref<256xf32, #tpu.memory_space<hbm>>
      tpu.wait_dma2 semaphore(%run_scoped3A : memref<!tpu.dma_semaphore, #tpu.memory_space<semaphore_mem>>) src(%dma_wait3A_70 : memref<256xf32, #tpu.memory_space<hbm>>) dst(%arg18 : memref<256xf32, #tpu.memory_space<vmem>>)
      tpu.yield
    }) : () -> ()
    "tpu.region"() ({
      %run_scoped3A = tpu.sem_alloc : memref<!tpu.dma_semaphore, #tpu.memory_space<semaphore_mem>>
      %dma_start3A_68 = tpu.memref_slice %arg7[%add3A_35] : memref<8192xf32, #tpu.memory_space<hbm>> -> memref<256xf32, #tpu.memory_space<hbm>>
      %dma_start3A_69 = tpu.memref_slice %arg7[%add3A_35] : memref<8192xf32, #tpu.memory_space<hbm>> -> memref<256xf32, #tpu.memory_space<hbm>>
      tpu.enqueue_dma source(%dma_start3A_69 : memref<256xf32, #tpu.memory_space<hbm>>) target(%arg19 : memref<256xf32, #tpu.memory_space<vmem>>) target_semaphore(%run_scoped3A : memref<!tpu.dma_semaphore, #tpu.memory_space<semaphore_mem>>)
      %dma_wait3A = tpu.memref_slice %arg7[%add3A_35] : memref<8192xf32, #tpu.memory_space<hbm>> -> memref<256xf32, #tpu.memory_space<hbm>>
      %dma_wait3A_70 = tpu.memref_slice %arg7[%add3A_35] : memref<8192xf32, #tpu.memory_space<hbm>> -> memref<256xf32, #tpu.memory_space<hbm>>
      tpu.wait_dma2 semaphore(%run_scoped3A : memref<!tpu.dma_semaphore, #tpu.memory_space<semaphore_mem>>) src(%dma_wait3A_70 : memref<256xf32, #tpu.memory_space<hbm>>) dst(%arg19 : memref<256xf32, #tpu.memory_space<vmem>>)
      tpu.yield
    }) : () -> ()
    %iota3A = tpu.iota {dimensions = array<i32: 0>} : vector<16xi32>
    %scan3A = arith.constant 0 : i32
    %scan3A_44 = arith.constant 0 : i32
    %scan3A_45 = arith.constant 256 : i32
    %scan3A_46 = arith.addi %scan3A_44, %scan3A_45 : i32
    %scan3A_47 = arith.constant 1 : i32
    %scan3A_48 = scf.for %scan3A_68 = %scan3A_44 to %scan3A_46 step %scan3A_47 iter_args(%scan3A_69 = %scan3A) -> (i32)  : i32 {
      %mul3A_70 = arith.constant 16 : i32
      %mul3A_71 = arith.muli %scan3A_68, %mul3A_70 : i32
      %get3A = arith.index_cast %mul3A_71 : i32 to index
      %get3A_72 = tpu.vector_load %arg10[%get3A] {strides = array<i32>} : memref<4096xf32, #tpu.memory_space<vmem>>, vector<16xf32>,
      %mul3A_73 = arith.constant 16 : i32
      %mul3A_74 = arith.muli %scan3A_68, %mul3A_73 : i32
      %get3A_75 = arith.index_cast %mul3A_74 : i32 to index
      %get3A_76 = tpu.vector_load %arg11[%get3A_75] {strides = array<i32>} : memref<4096xf32, #tpu.memory_space<vmem>>, vector<16xf32>,
      %mul3A_77 = arith.constant 16 : i32
      %mul3A_78 = arith.muli %scan3A_68, %mul3A_77 : i32
      %get3A_79 = arith.index_cast %mul3A_78 : i32 to index
      %get3A_80 = tpu.vector_load %arg12[%get3A_79] {strides = array<i32>} : memref<4096xf32, #tpu.memory_space<vmem>>, vector<16xf32>,
      %mul3A_81 = arith.mulf %get3A_72, %get3A_72 : vector<16xf32>
      %mul3A_82 = arith.mulf %get3A_76, %get3A_76 : vector<16xf32>
      %add3A_83 = arith.addf %mul3A_81, %mul3A_82 : vector<16xf32>
      %mul3A_84 = arith.mulf %get3A_80, %get3A_80 : vector<16xf32>
      %add3A_85 = arith.addf %add3A_83, %mul3A_84 : vector<16xf32>
      %mul3A_86 = arith.constant 16 : i32
      %mul3A_87 = arith.muli %scan3A_68, %mul3A_86 : i32
      %swap3A = arith.index_cast %mul3A_87 : i32 to index
      %swap3A_88 = tpu.vector_load %arg16[%swap3A] {strides = array<i32>} : memref<4096xf32, #tpu.memory_space<vmem>>, vector<16xf32>,
      tpu.vector_store %arg16[%swap3A], %add3A_85 {strides = array<i32>} : memref<4096xf32, #tpu.memory_space<vmem>>, vector<16xf32>,
      %bitcast3A = vector.bitcast %get3A_72 : vector<16xf32> to vector<16xi32>
      %add3A_89 = arith.constant 32767 : i32
      %add3A_90 = vector.broadcast %add3A_89 : i32 to vector<16xi32>
      %add3A_91 = arith.addi %bitcast3A, %add3A_90 : vector<16xi32>
      %shift_right_logical3A = arith.constant 16 : i32
      %shift_right_logical3A_92 = vector.broadcast %shift_right_logical3A : i32 to vector<16xi32>
      %shift_right_logical3A_93 = arith.shrui %bitcast3A, %shift_right_logical3A_92 : vector<16xi32>
      %and3A_94 = arith.constant 1 : i32
      %and3A_95 = vector.broadcast %and3A_94 : i32 to vector<16xi32>
      %and3A_96 = arith.andi %shift_right_logical3A_93, %and3A_95 : vector<16xi32>
      %add3A_97 = arith.addi %add3A_91, %and3A_96 : vector<16xi32>
      %and3A_98 = arith.constant -65536 : i32
      %and3A_99 = vector.broadcast %and3A_98 : i32 to vector<16xi32>
      %and3A_100 = arith.andi %add3A_97, %and3A_99 : vector<16xi32>
      %bitcast3A_101 = vector.bitcast %and3A_100 : vector<16xi32> to vector<16xf32>
      %mul3A_102 = arith.constant 16 : i32
      %mul3A_103 = arith.muli %scan3A_68, %mul3A_102 : i32
      %swap3A_104 = arith.index_cast %mul3A_103 : i32 to index
      %swap3A_105 = tpu.vector_load %arg13[%swap3A_104] {strides = array<i32>} : memref<4096xf32, #tpu.memory_space<vmem>>, vector<16xf32>,
      tpu.vector_store %arg13[%swap3A_104], %bitcast3A_101 {strides = array<i32>} : memref<4096xf32, #tpu.memory_space<vmem>>, vector<16xf32>,
      %bitcast3A_106 = vector.bitcast %get3A_76 : vector<16xf32> to vector<16xi32>
      %add3A_107 = arith.constant 32767 : i32
      %add3A_108 = vector.broadcast %add3A_107 : i32 to vector<16xi32>
      %add3A_109 = arith.addi %bitcast3A_106, %add3A_108 : vector<16xi32>
      %shift_right_logical3A_110 = arith.constant 16 : i32
      %shift_right_logical3A_111 = vector.broadcast %shift_right_logical3A_110 : i32 to vector<16xi32>
      %shift_right_logical3A_112 = arith.shrui %bitcast3A_106, %shift_right_logical3A_111 : vector<16xi32>
      %and3A_113 = arith.constant 1 : i32
      %and3A_114 = vector.broadcast %and3A_113 : i32 to vector<16xi32>
      %and3A_115 = arith.andi %shift_right_logical3A_112, %and3A_114 : vector<16xi32>
      %add3A_116 = arith.addi %add3A_109, %and3A_115 : vector<16xi32>
      %and3A_117 = arith.constant -65536 : i32
      %and3A_118 = vector.broadcast %and3A_117 : i32 to vector<16xi32>
      %and3A_119 = arith.andi %add3A_116, %and3A_118 : vector<16xi32>
      %bitcast3A_120 = vector.bitcast %and3A_119 : vector<16xi32> to vector<16xf32>
      %mul3A_121 = arith.constant 16 : i32
      %mul3A_122 = arith.muli %scan3A_68, %mul3A_121 : i32
      %swap3A_123 = arith.index_cast %mul3A_122 : i32 to index
      %swap3A_124 = tpu.vector_load %arg14[%swap3A_123] {strides = array<i32>} : memref<4096xf32, #tpu.memory_space<vmem>>, vector<16xf32>,
      tpu.vector_store %arg14[%swap3A_123], %bitcast3A_120 {strides = array<i32>} : memref<4096xf32, #tpu.memory_space<vmem>>, vector<16xf32>,
      %bitcast3A_125 = vector.bitcast %get3A_80 : vector<16xf32> to vector<16xi32>
      %add3A_126 = arith.constant 32767 : i32
      %add3A_127 = vector.broadcast %add3A_126 : i32 to vector<16xi32>
      %add3A_128 = arith.addi %bitcast3A_125, %add3A_127 : vector<16xi32>
      %shift_right_logical3A_129 = arith.constant 16 : i32
      %shift_right_logical3A_130 = vector.broadcast %shift_right_logical3A_129 : i32 to vector<16xi32>
      %shift_right_logical3A_131 = arith.shrui %bitcast3A_125, %shift_right_logical3A_130 : vector<16xi32>
      %and3A_132 = arith.constant 1 : i32
      %and3A_133 = vector.broadcast %and3A_132 : i32 to vector<16xi32>
      %and3A_134 = arith.andi %shift_right_logical3A_131, %and3A_133 : vector<16xi32>
      %add3A_135 = arith.addi %add3A_128, %and3A_134 : vector<16xi32>
      %and3A_136 = arith.constant -65536 : i32
      %and3A_137 = vector.broadcast %and3A_136 : i32 to vector<16xi32>
      %and3A_138 = arith.andi %add3A_135, %and3A_137 : vector<16xi32>
      %bitcast3A_139 = vector.bitcast %and3A_138 : vector<16xi32> to vector<16xf32>
      %mul3A_140 = arith.constant 16 : i32
      %mul3A_141 = arith.muli %scan3A_68, %mul3A_140 : i32
      %swap3A_142 = arith.index_cast %mul3A_141 : i32 to index
      %swap3A_143 = tpu.vector_load %arg15[%swap3A_142] {strides = array<i32>} : memref<4096xf32, #tpu.memory_space<vmem>>, vector<16xf32>,
      tpu.vector_store %arg15[%swap3A_142], %bitcast3A_139 {strides = array<i32>} : memref<4096xf32, #tpu.memory_space<vmem>>, vector<16xf32>,
      %scan3A_144 = arith.constant 0 : i32
      scf.yield %scan3A_144 : i32
    }
    %scan3A_49 = arith.constant 256 : i32
    %scan3A_50 = arith.constant 0 : i32
    %scan3A_51 = arith.constant 0 : i32
    %scan3A_52 = arith.constant 256 : i32
    %scan3A_53 = arith.addi %scan3A_51, %scan3A_52 : i32
    %scan3A_54 = arith.constant 1 : i32
    %scan3A_55 = scf.for %scan3A_68 = %scan3A_51 to %scan3A_53 step %scan3A_54 iter_args(%scan3A_69 = %scan3A_50) -> (i32)  : i32 {
      %broadcast_in_dim3A = vector.broadcast %scan3A_68 : i32 to vector<16xi32>
      %gather3A = tpu.vector_load_idx %arg17[%broadcast_in_dim3A] : memref<256xf32, #tpu.memory_space<vmem>>[vector<16xi32>], vector<16xf32>,
      %gather3A_70 = tpu.vector_load_idx %arg18[%broadcast_in_dim3A] : memref<256xf32, #tpu.memory_space<vmem>>[vector<16xi32>], vector<16xf32>,
      %gather3A_71 = tpu.vector_load_idx %arg19[%broadcast_in_dim3A] : memref<256xf32, #tpu.memory_space<vmem>>[vector<16xi32>], vector<16xf32>,
      %bitcast3A = vector.bitcast %gather3A : vector<16xf32> to vector<16xi32>
      %add3A_72 = arith.constant 32767 : i32
      %add3A_73 = vector.broadcast %add3A_72 : i32 to vector<16xi32>
      %add3A_74 = arith.addi %bitcast3A, %add3A_73 : vector<16xi32>
      %shift_right_logical3A = arith.constant 16 : i32
      %shift_right_logical3A_75 = vector.broadcast %shift_right_logical3A : i32 to vector<16xi32>
      %shift_right_logical3A_76 = arith.shrui %bitcast3A, %shift_right_logical3A_75 : vector<16xi32>
      %and3A_77 = arith.constant 1 : i32
      %and3A_78 = vector.broadcast %and3A_77 : i32 to vector<16xi32>
      %and3A_79 = arith.andi %shift_right_logical3A_76, %and3A_78 : vector<16xi32>
      %add3A_80 = arith.addi %add3A_74, %and3A_79 : vector<16xi32>
      %and3A_81 = arith.constant -65536 : i32
      %and3A_82 = vector.broadcast %and3A_81 : i32 to vector<16xi32>
      %and3A_83 = arith.andi %add3A_80, %and3A_82 : vector<16xi32>
      %bitcast3A_84 = vector.bitcast %and3A_83 : vector<16xi32> to vector<16xf32>
      %bitcast3A_85 = vector.bitcast %gather3A_70 : vector<16xf32> to vector<16xi32>
      %add3A_86 = arith.constant 32767 : i32
      %add3A_87 = vector.broadcast %add3A_86 : i32 to vector<16xi32>
      %add3A_88 = arith.addi %bitcast3A_85, %add3A_87 : vector<16xi32>
      %shift_right_logical3A_89 = arith.constant 16 : i32
      %shift_right_logical3A_90 = vector.broadcast %shift_right_logical3A_89 : i32 to vector<16xi32>
      %shift_right_logical3A_91 = arith.shrui %bitcast3A_85, %shift_right_logical3A_90 : vector<16xi32>
      %and3A_92 = arith.constant 1 : i32
      %and3A_93 = vector.broadcast %and3A_92 : i32 to vector<16xi32>
      %and3A_94 = arith.andi %shift_right_logical3A_91, %and3A_93 : vector<16xi32>
      %add3A_95 = arith.addi %add3A_88, %and3A_94 : vector<16xi32>
      %and3A_96 = arith.constant -65536 : i32
      %and3A_97 = vector.broadcast %and3A_96 : i32 to vector<16xi32>
      %and3A_98 = arith.andi %add3A_95, %and3A_97 : vector<16xi32>
      %bitcast3A_99 = vector.bitcast %and3A_98 : vector<16xi32> to vector<16xf32>
      %bitcast3A_100 = vector.bitcast %gather3A_71 : vector<16xf32> to vector<16xi32>
      %add3A_101 = arith.constant 32767 : i32
      %add3A_102 = vector.broadcast %add3A_101 : i32 to vector<16xi32>
      %add3A_103 = arith.addi %bitcast3A_100, %add3A_102 : vector<16xi32>
      %shift_right_logical3A_104 = arith.constant 16 : i32
      %shift_right_logical3A_105 = vector.broadcast %shift_right_logical3A_104 : i32 to vector<16xi32>
      %shift_right_logical3A_106 = arith.shrui %bitcast3A_100, %shift_right_logical3A_105 : vector<16xi32>
      %and3A_107 = arith.constant 1 : i32
      %and3A_108 = vector.broadcast %and3A_107 : i32 to vector<16xi32>
      %and3A_109 = arith.andi %shift_right_logical3A_106, %and3A_108 : vector<16xi32>
      %add3A_110 = arith.addi %add3A_103, %and3A_109 : vector<16xi32>
      %and3A_111 = arith.constant -65536 : i32
      %and3A_112 = vector.broadcast %and3A_111 : i32 to vector<16xi32>
      %and3A_113 = arith.andi %add3A_110, %and3A_112 : vector<16xi32>
      %bitcast3A_114 = vector.bitcast %and3A_113 : vector<16xi32> to vector<16xf32>
      %mul3A_115 = arith.mulf %gather3A, %gather3A : vector<16xf32>
      %mul3A_116 = arith.mulf %gather3A_70, %gather3A_70 : vector<16xf32>
      %add3A_117 = arith.addf %mul3A_115, %mul3A_116 : vector<16xf32>
      %mul3A_118 = arith.mulf %gather3A_71, %gather3A_71 : vector<16xf32>
      %add3A_119 = arith.addf %add3A_117, %mul3A_118 : vector<16xf32>
      %while3A = arith.constant 0 : i32
      %while3A_120 = arith.constant 0 : i32
      %while3A_121:2 = scf.while (%while3A_149 = %while3A, %while3A_150 = %while3A_120) : (i32, i32) -> (i32, i32) {
        %lt3A_151 = arith.constant 32 : i32
        %lt3A_152 = arith.cmpi slt, %while3A_150, %lt3A_151 : i32
        %lt3A_153 = arith.constant 64 : i32
        %lt3A_154 = arith.cmpi slt, %while3A_149, %lt3A_153 : i32
        %and3A_155 = arith.andi %lt3A_152, %lt3A_154 : i1
        scf.condition(%and3A_155) %while3A_149, %while3A_150 : i32, i32
      } do {
      ^bb0(%while3A_149: i32, %while3A_150: i32):
        %mul3A_151 = arith.constant 64 : i32
        %mul3A_152 = arith.muli %while3A_149, %mul3A_151 : i32
        %add3A_153 = arith.constant 0 : i32
        %add3A_154 = arith.addi %mul3A_152, %add3A_153 : i32
        %get3A = arith.index_cast %add3A_154 : i32 to index
        %get3A_155 = tpu.vector_load %arg13[%get3A] {strides = array<i32>} : memref<4096xf32, #tpu.memory_space<vmem>>, vector<16xf32>,
        %add3A_156 = arith.constant 0 : i32
        %add3A_157 = arith.addi %mul3A_152, %add3A_156 : i32
        %get3A_158 = arith.index_cast %add3A_157 : i32 to index
        %get3A_159 = tpu.vector_load %arg14[%get3A_158] {strides = array<i32>} : memref<4096xf32, #tpu.memory_space<vmem>>, vector<16xf32>,
        %add3A_160 = arith.constant 0 : i32
        %add3A_161 = arith.addi %mul3A_152, %add3A_160 : i32
        %get3A_162 = arith.index_cast %add3A_161 : i32 to index
        %get3A_163 = tpu.vector_load %arg15[%get3A_162] {strides = array<i32>} : memref<4096xf32, #tpu.memory_space<vmem>>, vector<16xf32>,
        %add3A_164 = arith.constant 0 : i32
        %add3A_165 = arith.addi %mul3A_152, %add3A_164 : i32
        %get3A_166 = arith.index_cast %add3A_165 : i32 to index
        %get3A_167 = tpu.vector_load %arg16[%get3A_166] {strides = array<i32>} : memref<4096xf32, #tpu.memory_space<vmem>>, vector<16xf32>,
        %mul3A_168 = arith.mulf %get3A_155, %bitcast3A_84 : vector<16xf32>
        %mul3A_169 = arith.mulf %get3A_159, %bitcast3A_99 : vector<16xf32>
        %add3A_170 = arith.addf %mul3A_168, %mul3A_169 : vector<16xf32>
        %mul3A_171 = arith.mulf %get3A_163, %bitcast3A_114 : vector<16xf32>
        %add3A_172 = arith.addf %add3A_170, %mul3A_171 : vector<16xf32>
        %add3A_173 = arith.addf %add3A_119, %get3A_167 : vector<16xf32>
        %mul3A_174 = arith.constant 2.000000e+00 : f32
        %mul3A_175 = vector.broadcast %mul3A_174 : f32 to vector<16xf32>
        %mul3A_176 = arith.mulf %mul3A_175, %add3A_172 : vector<16xf32>
        %sub3A_177 = arith.subf %add3A_173, %mul3A_176 : vector<16xf32>
        %le3A = arith.constant 1.600000e-01 : f32
        %le3A_178 = vector.broadcast %le3A : f32 to vector<16xf32>
        %le3A_179 = arith.cmpf ole, %sub3A_177, %le3A_178 : vector<16xf32>
        %all_reduce_population_count3A = tpu.all_reduce %le3A_179 {dim = 0 : i64, kind = #tpu.reduction_kind<sum>} : vector<16xi1> -> vector<16xi32>
        %slice3A = vector.extract_strided_slice %all_reduce_population_count3A {offsets = [0], sizes = [1], strides = [1]} : vector<16xi32> to vector<1xi32>
        %squeeze3A = vector.extract %slice3A[0] : i32 from vector<1xi32>
        %add3A_180 = arith.constant 16 : i32
        %add3A_181 = arith.addi %mul3A_152, %add3A_180 : i32
        %get3A_182 = arith.index_cast %add3A_181 : i32 to index
        %get3A_183 = tpu.vector_load %arg13[%get3A_182] {strides = array<i32>} : memref<4096xf32, #tpu.memory_space<vmem>>, vector<16xf32>,
        %add3A_184 = arith.constant 16 : i32
        %add3A_185 = arith.addi %mul3A_152, %add3A_184 : i32
        %get3A_186 = arith.index_cast %add3A_185 : i32 to index
        %get3A_187 = tpu.vector_load %arg14[%get3A_186] {strides = array<i32>} : memref<4096xf32, #tpu.memory_space<vmem>>, vector<16xf32>,
        %add3A_188 = arith.constant 16 : i32
        %add3A_189 = arith.addi %mul3A_152, %add3A_188 : i32
        %get3A_190 = arith.index_cast %add3A_189 : i32 to index
        %get3A_191 = tpu.vector_load %arg15[%get3A_190] {strides = array<i32>} : memref<4096xf32, #tpu.memory_space<vmem>>, vector<16xf32>,
        %add3A_192 = arith.constant 16 : i32
        %add3A_193 = arith.addi %mul3A_152, %add3A_192 : i32
        %get3A_194 = arith.index_cast %add3A_193 : i32 to index
        %get3A_195 = tpu.vector_load %arg16[%get3A_194] {strides = array<i32>} : memref<4096xf32, #tpu.memory_space<vmem>>, vector<16xf32>,
        %mul3A_196 = arith.mulf %get3A_183, %bitcast3A_84 : vector<16xf32>
        %mul3A_197 = arith.mulf %get3A_187, %bitcast3A_99 : vector<16xf32>
        %add3A_198 = arith.addf %mul3A_196, %mul3A_197 : vector<16xf32>
        %mul3A_199 = arith.mulf %get3A_191, %bitcast3A_114 : vector<16xf32>
        %add3A_200 = arith.addf %add3A_198, %mul3A_199 : vector<16xf32>
        %add3A_201 = arith.addf %add3A_119, %get3A_195 : vector<16xf32>
        %mul3A_202 = arith.constant 2.000000e+00 : f32
        %mul3A_203 = vector.broadcast %mul3A_202 : f32 to vector<16xf32>
        %mul3A_204 = arith.mulf %mul3A_203, %add3A_200 : vector<16xf32>
        %sub3A_205 = arith.subf %add3A_201, %mul3A_204 : vector<16xf32>
        %le3A_206 = arith.constant 1.600000e-01 : f32
        %le3A_207 = vector.broadcast %le3A_206 : f32 to vector<16xf32>
        %le3A_208 = arith.cmpf ole, %sub3A_205, %le3A_207 : vector<16xf32>
        %all_reduce_population_count3A_209 = tpu.all_reduce %le3A_208 {dim = 0 : i64, kind = #tpu.reduction_kind<sum>} : vector<16xi1> -> vector<16xi32>
        %slice3A_210 = vector.extract_strided_slice %all_reduce_population_count3A_209 {offsets = [0], sizes = [1], strides = [1]} : vector<16xi32> to vector<1xi32>
        %squeeze3A_211 = vector.extract %slice3A_210[0] : i32 from vector<1xi32>
        %add3A_212 = arith.constant 32 : i32
        %add3A_213 = arith.addi %mul3A_152, %add3A_212 : i32
        %get3A_214 = arith.index_cast %add3A_213 : i32 to index
        %get3A_215 = tpu.vector_load %arg13[%get3A_214] {strides = array<i32>} : memref<4096xf32, #tpu.memory_space<vmem>>, vector<16xf32>,
        %add3A_216 = arith.constant 32 : i32
        %add3A_217 = arith.addi %mul3A_152, %add3A_216 : i32
        %get3A_218 = arith.index_cast %add3A_217 : i32 to index
        %get3A_219 = tpu.vector_load %arg14[%get3A_218] {strides = array<i32>} : memref<4096xf32, #tpu.memory_space<vmem>>, vector<16xf32>,
        %add3A_220 = arith.constant 32 : i32
        %add3A_221 = arith.addi %mul3A_152, %add3A_220 : i32
        %get3A_222 = arith.index_cast %add3A_221 : i32 to index
        %get3A_223 = tpu.vector_load %arg15[%get3A_222] {strides = array<i32>} : memref<4096xf32, #tpu.memory_space<vmem>>, vector<16xf32>,
        %add3A_224 = arith.constant 32 : i32
        %add3A_225 = arith.addi %mul3A_152, %add3A_224 : i32
        %get3A_226 = arith.index_cast %add3A_225 : i32 to index
        %get3A_227 = tpu.vector_load %arg16[%get3A_226] {strides = array<i32>} : memref<4096xf32, #tpu.memory_space<vmem>>, vector<16xf32>,
        %mul3A_228 = arith.mulf %get3A_215, %bitcast3A_84 : vector<16xf32>
        %mul3A_229 = arith.mulf %get3A_219, %bitcast3A_99 : vector<16xf32>
        %add3A_230 = arith.addf %mul3A_228, %mul3A_229 : vector<16xf32>
        %mul3A_231 = arith.mulf %get3A_223, %bitcast3A_114 : vector<16xf32>
        %add3A_232 = arith.addf %add3A_230, %mul3A_231 : vector<16xf32>
        %add3A_233 = arith.addf %add3A_119, %get3A_227 : vector<16xf32>
        %mul3A_234 = arith.constant 2.000000e+00 : f32
        %mul3A_235 = vector.broadcast %mul3A_234 : f32 to vector<16xf32>
        %mul3A_236 = arith.mulf %mul3A_235, %add3A_232 : vector<16xf32>
        %sub3A_237 = arith.subf %add3A_233, %mul3A_236 : vector<16xf32>
        %le3A_238 = arith.constant 1.600000e-01 : f32
        %le3A_239 = vector.broadcast %le3A_238 : f32 to vector<16xf32>
        %le3A_240 = arith.cmpf ole, %sub3A_237, %le3A_239 : vector<16xf32>
        %all_reduce_population_count3A_241 = tpu.all_reduce %le3A_240 {dim = 0 : i64, kind = #tpu.reduction_kind<sum>} : vector<16xi1> -> vector<16xi32>
        %slice3A_242 = vector.extract_strided_slice %all_reduce_population_count3A_241 {offsets = [0], sizes = [1], strides = [1]} : vector<16xi32> to vector<1xi32>
        %squeeze3A_243 = vector.extract %slice3A_242[0] : i32 from vector<1xi32>
        %add3A_244 = arith.constant 48 : i32
        %add3A_245 = arith.addi %mul3A_152, %add3A_244 : i32
        %get3A_246 = arith.index_cast %add3A_245 : i32 to index
        %get3A_247 = tpu.vector_load %arg13[%get3A_246] {strides = array<i32>} : memref<4096xf32, #tpu.memory_space<vmem>>, vector<16xf32>,
        %add3A_248 = arith.constant 48 : i32
        %add3A_249 = arith.addi %mul3A_152, %add3A_248 : i32
        %get3A_250 = arith.index_cast %add3A_249 : i32 to index
        %get3A_251 = tpu.vector_load %arg14[%get3A_250] {strides = array<i32>} : memref<4096xf32, #tpu.memory_space<vmem>>, vector<16xf32>,
        %add3A_252 = arith.constant 48 : i32
        %add3A_253 = arith.addi %mul3A_152, %add3A_252 : i32
        %get3A_254 = arith.index_cast %add3A_253 : i32 to index
        %get3A_255 = tpu.vector_load %arg15[%get3A_254] {strides = array<i32>} : memref<4096xf32, #tpu.memory_space<vmem>>, vector<16xf32>,
        %add3A_256 = arith.constant 48 : i32
        %add3A_257 = arith.addi %mul3A_152, %add3A_256 : i32
        %get3A_258 = arith.index_cast %add3A_257 : i32 to index
        %get3A_259 = tpu.vector_load %arg16[%get3A_258] {strides = array<i32>} : memref<4096xf32, #tpu.memory_space<vmem>>, vector<16xf32>,
        %mul3A_260 = arith.mulf %get3A_247, %bitcast3A_84 : vector<16xf32>
        %mul3A_261 = arith.mulf %get3A_251, %bitcast3A_99 : vector<16xf32>
        %add3A_262 = arith.addf %mul3A_260, %mul3A_261 : vector<16xf32>
        %mul3A_263 = arith.mulf %get3A_255, %bitcast3A_114 : vector<16xf32>
        %add3A_264 = arith.addf %add3A_262, %mul3A_263 : vector<16xf32>
        %add3A_265 = arith.addf %add3A_119, %get3A_259 : vector<16xf32>
        %mul3A_266 = arith.constant 2.000000e+00 : f32
        %mul3A_267 = vector.broadcast %mul3A_266 : f32 to vector<16xf32>
        %mul3A_268 = arith.mulf %mul3A_267, %add3A_264 : vector<16xf32>
        %sub3A_269 = arith.subf %add3A_265, %mul3A_268 : vector<16xf32>
        %le3A_270 = arith.constant 1.600000e-01 : f32
        %le3A_271 = vector.broadcast %le3A_270 : f32 to vector<16xf32>
        %le3A_272 = arith.cmpf ole, %sub3A_269, %le3A_271 : vector<16xf32>
        %all_reduce_population_count3A_273 = tpu.all_reduce %le3A_272 {dim = 0 : i64, kind = #tpu.reduction_kind<sum>} : vector<16xi1> -> vector<16xi32>
        %slice3A_274 = vector.extract_strided_slice %all_reduce_population_count3A_273 {offsets = [0], sizes = [1], strides = [1]} : vector<16xi32> to vector<1xi32>
        %squeeze3A_275 = vector.extract %slice3A_274[0] : i32 from vector<1xi32>
        %add3A_276 = arith.addi %squeeze3A, %squeeze3A_211 : i32
        %add3A_277 = arith.addi %squeeze3A_243, %squeeze3A_275 : i32
        %add3A_278 = arith.addi %add3A_276, %add3A_277 : i32
        %gt3A_279 = arith.constant 0 : i32
        %gt3A_280 = arith.cmpi sgt, %add3A_278, %gt3A_279 : i32
        %convert_element_type3A = arith.extui %gt3A_280 : i1 to i32
        %cond3A = arith.constant 0 : i32
        %cond3A_281 = arith.cmpi ne, %convert_element_type3A, %cond3A : i32
        scf.if %cond3A_281 {
          %convert_element_type3A_285 = arith.extui %le3A_179 : vector<16xi1> to vector<16xi32>
          %broadcast_in_dim3A_286 = arith.constant true
          %broadcast_in_dim3A_287 = vector.broadcast %broadcast_in_dim3A_286 : i1 to vector<16xi1>
          %masked_cumsum3A = tpu.scan <sum>, %convert_element_type3A_285 masked %broadcast_in_dim3A_287 : vector<16xi32>, vector<16xi1> -> vector<16xi32>
          %mul3A_288 = arith.constant 32 : i32
          %mul3A_289 = arith.muli %scan3A_68, %mul3A_288 : i32
          %add3A_290 = arith.addi %mul3A_289, %while3A_150 : i32
          %sub3A_291 = arith.constant 1 : i32
          %sub3A_292 = arith.subi %add3A_290, %sub3A_291 : i32
          %add3A_293 = vector.broadcast %sub3A_292 : i32 to vector<16xi32>
          %add3A_294 = arith.addi %add3A_293, %masked_cumsum3A : vector<16xi32>
          %add3A_295 = vector.broadcast %while3A_150 : i32 to vector<16xi32>
          %add3A_296 = arith.addi %add3A_295, %masked_cumsum3A : vector<16xi32>
          %le3A_297 = arith.constant 32 : i32
          %le3A_298 = vector.broadcast %le3A_297 : i32 to vector<16xi32>
          %le3A_299 = arith.cmpi sle, %add3A_296, %le3A_298 : vector<16xi32>
          %and3A_300 = arith.andi %le3A_179, %le3A_299 : vector<16xi1>
          %add3A_301 = arith.addi %mul3A_37, %mul3A_152 : i32
          %add3A_302 = arith.constant 0 : i32
          %add3A_303 = arith.addi %add3A_301, %add3A_302 : i32
          %add3A_304 = vector.broadcast %add3A_303 : i32 to vector<16xi32>
          %add3A_305 = arith.addi %add3A_304, %iota3A : vector<16xi32>
          tpu.vector_store_idx %arg20[%add3A_294], %add3A_305 masked %and3A_300 : memref<8192xi32, #tpu.memory_space<vmem>>[vector<16xi32>], vector<16xi32>, vector<16xi1>
          %add3A_306 = arith.addi %while3A_150, %squeeze3A : i32
          %convert_element_type3A_307 = arith.extui %le3A_208 : vector<16xi1> to vector<16xi32>
          %broadcast_in_dim3A_308 = arith.constant true
          %broadcast_in_dim3A_309 = vector.broadcast %broadcast_in_dim3A_308 : i1 to vector<16xi1>
          %masked_cumsum3A_310 = tpu.scan <sum>, %convert_element_type3A_307 masked %broadcast_in_dim3A_309 : vector<16xi32>, vector<16xi1> -> vector<16xi32>
          %mul3A_311 = arith.constant 32 : i32
          %mul3A_312 = arith.muli %scan3A_68, %mul3A_311 : i32
          %add3A_313 = arith.addi %mul3A_312, %add3A_306 : i32
          %sub3A_314 = arith.constant 1 : i32
          %sub3A_315 = arith.subi %add3A_313, %sub3A_314 : i32
          %add3A_316 = vector.broadcast %sub3A_315 : i32 to vector<16xi32>
          %add3A_317 = arith.addi %add3A_316, %masked_cumsum3A_310 : vector<16xi32>
          %add3A_318 = vector.broadcast %add3A_306 : i32 to vector<16xi32>
          %add3A_319 = arith.addi %add3A_318, %masked_cumsum3A_310 : vector<16xi32>
          %le3A_320 = arith.constant 32 : i32
          %le3A_321 = vector.broadcast %le3A_320 : i32 to vector<16xi32>
          %le3A_322 = arith.cmpi sle, %add3A_319, %le3A_321 : vector<16xi32>
          %and3A_323 = arith.andi %le3A_208, %le3A_322 : vector<16xi1>
          %add3A_324 = arith.addi %mul3A_37, %mul3A_152 : i32
          %add3A_325 = arith.constant 16 : i32
          %add3A_326 = arith.addi %add3A_324, %add3A_325 : i32
          %add3A_327 = vector.broadcast %add3A_326 : i32 to vector<16xi32>
          %add3A_328 = arith.addi %add3A_327, %iota3A : vector<16xi32>
          tpu.vector_store_idx %arg20[%add3A_317], %add3A_328 masked %and3A_323 : memref<8192xi32, #tpu.memory_space<vmem>>[vector<16xi32>], vector<16xi32>, vector<16xi1>
          %add3A_329 = arith.addi %add3A_306, %squeeze3A_211 : i32
          %convert_element_type3A_330 = arith.extui %le3A_240 : vector<16xi1> to vector<16xi32>
          %broadcast_in_dim3A_331 = arith.constant true
          %broadcast_in_dim3A_332 = vector.broadcast %broadcast_in_dim3A_331 : i1 to vector<16xi1>
          %masked_cumsum3A_333 = tpu.scan <sum>, %convert_element_type3A_330 masked %broadcast_in_dim3A_332 : vector<16xi32>, vector<16xi1> -> vector<16xi32>
          %mul3A_334 = arith.constant 32 : i32
          %mul3A_335 = arith.muli %scan3A_68, %mul3A_334 : i32
          %add3A_336 = arith.addi %mul3A_335, %add3A_329 : i32
          %sub3A_337 = arith.constant 1 : i32
          %sub3A_338 = arith.subi %add3A_336, %sub3A_337 : i32
          %add3A_339 = vector.broadcast %sub3A_338 : i32 to vector<16xi32>
          %add3A_340 = arith.addi %add3A_339, %masked_cumsum3A_333 : vector<16xi32>
          %add3A_341 = vector.broadcast %add3A_329 : i32 to vector<16xi32>
          %add3A_342 = arith.addi %add3A_341, %masked_cumsum3A_333 : vector<16xi32>
          %le3A_343 = arith.constant 32 : i32
          %le3A_344 = vector.broadcast %le3A_343 : i32 to vector<16xi32>
          %le3A_345 = arith.cmpi sle, %add3A_342, %le3A_344 : vector<16xi32>
          %and3A_346 = arith.andi %le3A_240, %le3A_345 : vector<16xi1>
          %add3A_347 = arith.addi %mul3A_37, %mul3A_152 : i32
          %add3A_348 = arith.constant 32 : i32
          %add3A_349 = arith.addi %add3A_347, %add3A_348 : i32
          %add3A_350 = vector.broadcast %add3A_349 : i32 to vector<16xi32>
          %add3A_351 = arith.addi %add3A_350, %iota3A : vector<16xi32>
          tpu.vector_store_idx %arg20[%add3A_340], %add3A_351 masked %and3A_346 : memref<8192xi32, #tpu.memory_space<vmem>>[vector<16xi32>], vector<16xi32>, vector<16xi1>
          %add3A_352 = arith.addi %add3A_329, %squeeze3A_243 : i32
          %convert_element_type3A_353 = arith.extui %le3A_272 : vector<16xi1> to vector<16xi32>
          %broadcast_in_dim3A_354 = arith.constant true
          %broadcast_in_dim3A_355 = vector.broadcast %broadcast_in_dim3A_354 : i1 to vector<16xi1>
          %masked_cumsum3A_356 = tpu.scan <sum>, %convert_element_type3A_353 masked %broadcast_in_dim3A_355 : vector<16xi32>, vector<16xi1> -> vector<16xi32>
          %mul3A_357 = arith.constant 32 : i32
          %mul3A_358 = arith.muli %scan3A_68, %mul3A_357 : i32
          %add3A_359 = arith.addi %mul3A_358, %add3A_352 : i32
          %sub3A_360 = arith.constant 1 : i32
          %sub3A_361 = arith.subi %add3A_359, %sub3A_360 : i32
          %add3A_362 = vector.broadcast %sub3A_361 : i32 to vector<16xi32>
          %add3A_363 = arith.addi %add3A_362, %masked_cumsum3A_356 : vector<16xi32>
          %add3A_364 = vector.broadcast %add3A_352 : i32 to vector<16xi32>
          %add3A_365 = arith.addi %add3A_364, %masked_cumsum3A_356 : vector<16xi32>
          %le3A_366 = arith.constant 32 : i32
          %le3A_367 = vector.broadcast %le3A_366 : i32 to vector<16xi32>
          %le3A_368 = arith.cmpi sle, %add3A_365, %le3A_367 : vector<16xi32>
          %and3A_369 = arith.andi %le3A_272, %le3A_368 : vector<16xi1>
          %add3A_370 = arith.addi %mul3A_37, %mul3A_152 : i32
          %add3A_371 = arith.constant 48 : i32
          %add3A_372 = arith.addi %add3A_370, %add3A_371 : i32
          %add3A_373 = vector.broadcast %add3A_372 : i32 to vector<16xi32>
          %add3A_374 = arith.addi %add3A_373, %iota3A : vector<16xi32>
          tpu.vector_store_idx %arg20[%add3A_363], %add3A_374 masked %and3A_369 : memref<8192xi32, #tpu.memory_space<vmem>>[vector<16xi32>], vector<16xi32>, vector<16xi1>
          %add3A_375 = arith.addi %add3A_352, %squeeze3A_275 : i32
        } else {
        }
        %add3A_282 = arith.constant 1 : i32
        %add3A_283 = arith.addi %while3A_149, %add3A_282 : i32
        %add3A_284 = arith.addi %while3A_150, %add3A_278 : i32
        scf.yield %add3A_283, %add3A_284 : i32, i32
      }
      %mul3A_122 = arith.constant 32 : i32
      %mul3A_123 = arith.muli %scan3A_68, %mul3A_122 : i32
      %broadcast_in_dim3A_124 = vector.broadcast %mul3A_123 : i32 to vector<16xi32>
      %gather3A_125 = tpu.vector_load_idx %arg20[%broadcast_in_dim3A_124] : memref<8192xi32, #tpu.memory_space<vmem>>[vector<16xi32>], vector<16xi32>,
      %broadcast_in_dim3A_126 = vector.broadcast %while3A_121#1 : i32 to vector<16xi32>
      %gt3A = arith.constant 0 : i32
      %gt3A_127 = vector.broadcast %gt3A : i32 to vector<16xi32>
      %gt3A_128 = arith.cmpi sgt, %broadcast_in_dim3A_126, %gt3A_127 : vector<16xi32>
      %broadcast_in_dim3A_129 = vector.broadcast %mul3A_37 : i32 to vector<16xi32>
      %select_n3A_130 = arith.select %gt3A_128, %gather3A_125, %broadcast_in_dim3A_129 : vector<16xi1>, vector<16xi32>
      %add3A_131 = arith.constant 0 : i32
      %add3A_132 = vector.broadcast %add3A_131 : i32 to vector<16xi32>
      %add3A_133 = arith.addi %add3A_132, %iota3A : vector<16xi32>
      %mul3A_134 = arith.constant 32 : i32
      %mul3A_135 = arith.muli %scan3A_68, %mul3A_134 : i32
      %add3A_136 = vector.broadcast %mul3A_135 : i32 to vector<16xi32>
      %add3A_137 = arith.addi %add3A_136, %add3A_133 : vector<16xi32>
      %ge3A = vector.broadcast %while3A_121#1 : i32 to vector<16xi32>
      %ge3A_138 = arith.cmpi sge, %add3A_133, %ge3A : vector<16xi32>
      tpu.vector_store_idx %arg20[%add3A_137], %select_n3A_130 masked %ge3A_138 : memref<8192xi32, #tpu.memory_space<vmem>>[vector<16xi32>], vector<16xi32>, vector<16xi1>
      %add3A_139 = arith.constant 16 : i32
      %add3A_140 = vector.broadcast %add3A_139 : i32 to vector<16xi32>
      %add3A_141 = arith.addi %add3A_140, %iota3A : vector<16xi32>
      %mul3A_142 = arith.constant 32 : i32
      %mul3A_143 = arith.muli %scan3A_68, %mul3A_142 : i32
      %add3A_144 = vector.broadcast %mul3A_143 : i32 to vector<16xi32>
      %add3A_145 = arith.addi %add3A_144, %add3A_141 : vector<16xi32>
      %ge3A_146 = vector.broadcast %while3A_121#1 : i32 to vector<16xi32>
      %ge3A_147 = arith.cmpi sge, %add3A_141, %ge3A_146 : vector<16xi32>
      tpu.vector_store_idx %arg20[%add3A_145], %select_n3A_130 masked %ge3A_147 : memref<8192xi32, #tpu.memory_space<vmem>>[vector<16xi32>], vector<16xi32>, vector<16xi1>
      %scan3A_148 = arith.constant 0 : i32
      scf.yield %scan3A_148 : i32
    }
    %scan3A_56 = arith.constant 256 : i32
    %dma_start3A = arith.constant 0 : i32
    %dma_start3A_57 = tpu.memref_slice %arg20[%dma_start3A] : memref<8192xi32, #tpu.memory_space<vmem>> -> memref<128xi32, #tpu.memory_space<vmem>>
    %dma_start3A_58 = arith.constant 0 : i32
    %dma_start3A_59 = arith.constant 0 : i32
    %dma_start3A_60 = tpu.memref_slice %arg8[%dma_start3A_58, %dma_start3A_59] : memref<32768x128xf32, #tpu.memory_space<hbm>> -> memref<32768x128xf32, #tpu.memory_space<hbm>>
    tpu.enqueue_indirect_dma source(%dma_start3A_60 : memref<32768x128xf32, #tpu.memory_space<hbm>>) target(%arg21 : memref<128x128xf32, #tpu.memory_space<vmem>>) offsets(%dma_start3A_57 : memref<128xi32, #tpu.memory_space<vmem>>) semaphore(%arg23 : memref<!tpu.dma_semaphore, #tpu.memory_space<semaphore_mem>>)
    %scan3A_61 = arith.constant 0 : i32
    %scan3A_62 = arith.constant 0 : i32
    %scan3A_63 = arith.constant 32 : i32
    %scan3A_64 = arith.addi %scan3A_62, %scan3A_63 : i32
    %scan3A_65 = arith.constant 1 : i32
    %scan3A_66 = scf.for %scan3A_68 = %scan3A_62 to %scan3A_64 step %scan3A_65 iter_args(%scan3A_69 = %scan3A_61) -> (i32)  : i32 {
      %mul3A_70 = arith.constant 2 : i32
      %mul3A_71 = arith.muli %scan3A_68, %mul3A_70 : i32
      %add3A_72 = arith.constant 1 : i32
      %add3A_73 = arith.addi %mul3A_71, %add3A_72 : i32
      %mul3A_74 = arith.constant 128 : i32
      %mul3A_75 = arith.muli %add3A_73, %mul3A_74 : i32
      %dma_start3A_76 = tpu.memref_slice %arg20[%mul3A_75] : memref<8192xi32, #tpu.memory_space<vmem>> -> memref<128xi32, #tpu.memory_space<vmem>>
      %dma_start3A_77 = arith.constant 0 : i32
      %dma_start3A_78 = arith.constant 0 : i32
      %dma_start3A_79 = tpu.memref_slice %arg8[%dma_start3A_77, %dma_start3A_78] : memref<32768x128xf32, #tpu.memory_space<hbm>> -> memref<32768x128xf32, #tpu.memory_space<hbm>>
      tpu.enqueue_indirect_dma source(%dma_start3A_79 : memref<32768x128xf32, #tpu.memory_space<hbm>>) target(%arg22 : memref<128x128xf32, #tpu.memory_space<vmem>>) offsets(%dma_start3A_76 : memref<128xi32, #tpu.memory_space<vmem>>) semaphore(%arg24 : memref<!tpu.dma_semaphore, #tpu.memory_space<semaphore_mem>>)
      %mul3A_80 = arith.constant 128 : i32
      %mul3A_81 = arith.muli %mul3A_71, %mul3A_80 : i32
      %dma_wait3A = tpu.memref_slice %arg20[%mul3A_81] : memref<8192xi32, #tpu.memory_space<vmem>> -> memref<128xi32, #tpu.memory_space<vmem>>
      %dma_wait3A_82 = arith.constant 0 : i32
      %dma_wait3A_83 = arith.constant 0 : i32
      %dma_wait3A_84 = tpu.memref_slice %arg8[%dma_wait3A_82, %dma_wait3A_83] : memref<32768x128xf32, #tpu.memory_space<hbm>> -> memref<32768x128xf32, #tpu.memory_space<hbm>>
      tpu.wait_indirect_dma semaphore(%arg23 : memref<!tpu.dma_semaphore, #tpu.memory_space<semaphore_mem>>) src(%dma_wait3A_84 : memref<32768x128xf32, #tpu.memory_space<hbm>>) dst(%arg21 : memref<128x128xf32, #tpu.memory_space<vmem>>)
      %mul3A_85 = arith.constant 32 : i32
      %mul3A_86 = arith.muli %add3A_35, %mul3A_85 : i32
      %mul3A_87 = arith.constant 128 : i32
      %mul3A_88 = arith.muli %mul3A_71, %mul3A_87 : i32
      %add3A_89 = arith.addi %mul3A_86, %mul3A_88 : i32
      "tpu.region"() ({
        %run_scoped3A = tpu.sem_alloc : memref<!tpu.dma_semaphore, #tpu.memory_space<semaphore_mem>>
        %dma_start3A_111 = arith.constant 0 : i32
        %dma_start3A_112 = tpu.memref_slice %arg9[%add3A_89, %dma_start3A_111] : memref<262144x128xf32, #tpu.memory_space<hbm>> -> memref<128x128xf32, #tpu.memory_space<hbm>>
        %dma_start3A_113 = arith.constant 0 : i32
        %dma_start3A_114 = tpu.memref_slice %arg9[%add3A_89, %dma_start3A_113] : memref<262144x128xf32, #tpu.memory_space<hbm>> -> memref<128x128xf32, #tpu.memory_space<hbm>>
        tpu.enqueue_dma source(%arg21 : memref<128x128xf32, #tpu.memory_space<vmem>>) target(%dma_start3A_114 : memref<128x128xf32, #tpu.memory_space<hbm>>) target_semaphore(%run_scoped3A : memref<!tpu.dma_semaphore, #tpu.memory_space<semaphore_mem>>)
        %dma_wait3A_115 = arith.constant 0 : i32
        %dma_wait3A_116 = tpu.memref_slice %arg9[%add3A_89, %dma_wait3A_115] : memref<262144x128xf32, #tpu.memory_space<hbm>> -> memref<128x128xf32, #tpu.memory_space<hbm>>
        %dma_wait3A_117 = arith.constant 0 : i32
        %dma_wait3A_118 = tpu.memref_slice %arg9[%add3A_89, %dma_wait3A_117] : memref<262144x128xf32, #tpu.memory_space<hbm>> -> memref<128x128xf32, #tpu.memory_space<hbm>>
        tpu.wait_dma2 semaphore(%run_scoped3A : memref<!tpu.dma_semaphore, #tpu.memory_space<semaphore_mem>>) src(%arg21 : memref<128x128xf32, #tpu.memory_space<vmem>>) dst(%dma_wait3A_118 : memref<128x128xf32, #tpu.memory_space<hbm>>)
        tpu.yield
      }) : () -> ()
      %add3A_90 = arith.constant 1 : i32
      %add3A_91 = arith.addi %scan3A_68, %add3A_90 : i32
      %lt3A_92 = arith.constant 32 : i32
      %lt3A_93 = arith.cmpi slt, %add3A_91, %lt3A_92 : i32
      %convert_element_type3A = arith.extui %lt3A_93 : i1 to i32
      %cond3A = arith.constant 0 : i32
      %cond3A_94 = arith.cmpi ne, %convert_element_type3A, %cond3A : i32
      scf.if %cond3A_94 {
        %add3A_111 = arith.constant 2 : i32
        %add3A_112 = arith.addi %mul3A_71, %add3A_111 : i32
        %mul3A_113 = arith.constant 128 : i32
        %mul3A_114 = arith.muli %add3A_112, %mul3A_113 : i32
        %dma_start3A_115 = tpu.memref_slice %arg20[%mul3A_114] : memref<8192xi32, #tpu.memory_space<vmem>> -> memref<128xi32, #tpu.memory_space<vmem>>
        %dma_start3A_116 = arith.constant 0 : i32
        %dma_start3A_117 = arith.constant 0 : i32
        %dma_start3A_118 = tpu.memref_slice %arg8[%dma_start3A_116, %dma_start3A_117] : memref<32768x128xf32, #tpu.memory_space<hbm>> -> memref<32768x128xf32, #tpu.memory_space<hbm>>
        tpu.enqueue_indirect_dma source(%dma_start3A_118 : memref<32768x128xf32, #tpu.memory_space<hbm>>) target(%arg21 : memref<128x128xf32, #tpu.memory_space<vmem>>) offsets(%dma_start3A_115 : memref<128xi32, #tpu.memory_space<vmem>>) semaphore(%arg23 : memref<!tpu.dma_semaphore, #tpu.memory_space<semaphore_mem>>)
      } else {
      }
      %add3A_95 = arith.constant 1 : i32
      %add3A_96 = arith.addi %mul3A_71, %add3A_95 : i32
      %mul3A_97 = arith.constant 128 : i32
      %mul3A_98 = arith.muli %add3A_96, %mul3A_97 : i32
      %dma_wait3A_99 = tpu.memref_slice %arg20[%mul3A_98] : memref<8192xi32, #tpu.memory_space<vmem>> -> memref<128xi32, #tpu.memory_space<vmem>>
      %dma_wait3A_100 = arith.constant 0 : i32
      %dma_wait3A_101 = arith.constant 0 : i32
      %dma_wait3A_102 = tpu.memref_slice %arg8[%dma_wait3A_100, %dma_wait3A_101] : memref<32768x128xf32, #tpu.memory_space<hbm>> -> memref<32768x128xf32, #tpu.memory_space<hbm>>
      tpu.wait_indirect_dma semaphore(%arg24 : memref<!tpu.dma_semaphore, #tpu.memory_space<semaphore_mem>>) src(%dma_wait3A_102 : memref<32768x128xf32, #tpu.memory_space<hbm>>) dst(%arg22 : memref<128x128xf32, #tpu.memory_space<vmem>>)
      %mul3A_103 = arith.constant 32 : i32
      %mul3A_104 = arith.muli %add3A_35, %mul3A_103 : i32
      %add3A_105 = arith.constant 1 : i32
      %add3A_106 = arith.addi %mul3A_71, %add3A_105 : i32
      %mul3A_107 = arith.constant 128 : i32
      %mul3A_108 = arith.muli %add3A_106, %mul3A_107 : i32
      %add3A_109 = arith.addi %mul3A_104, %mul3A_108 : i32
      "tpu.region"() ({
        %run_scoped3A = tpu.sem_alloc : memref<!tpu.dma_semaphore, #tpu.memory_space<semaphore_mem>>
        %dma_start3A_111 = arith.constant 0 : i32
        %dma_start3A_112 = tpu.memref_slice %arg9[%add3A_109, %dma_start3A_111] : memref<262144x128xf32, #tpu.memory_space<hbm>> -> memref<128x128xf32, #tpu.memory_space<hbm>>
        %dma_start3A_113 = arith.constant 0 : i32
        %dma_start3A_114 = tpu.memref_slice %arg9[%add3A_109, %dma_start3A_113] : memref<262144x128xf32, #tpu.memory_space<hbm>> -> memref<128x128xf32, #tpu.memory_space<hbm>>
        tpu.enqueue_dma source(%arg22 : memref<128x128xf32, #tpu.memory_space<vmem>>) target(%dma_start3A_114 : memref<128x128xf32, #tpu.memory_space<hbm>>) target_semaphore(%run_scoped3A : memref<!tpu.dma_semaphore, #tpu.memory_space<semaphore_mem>>)
        %dma_wait3A_115 = arith.constant 0 : i32
        %dma_wait3A_116 = tpu.memref_slice %arg9[%add3A_109, %dma_wait3A_115] : memref<262144x128xf32, #tpu.memory_space<hbm>> -> memref<128x128xf32, #tpu.memory_space<hbm>>
        %dma_wait3A_117 = arith.constant 0 : i32
        %dma_wait3A_118 = tpu.memref_slice %arg9[%add3A_109, %dma_wait3A_117] : memref<262144x128xf32, #tpu.memory_space<hbm>> -> memref<128x128xf32, #tpu.memory_space<hbm>>
        tpu.wait_dma2 semaphore(%run_scoped3A : memref<!tpu.dma_semaphore, #tpu.memory_space<semaphore_mem>>) src(%arg22 : memref<128x128xf32, #tpu.memory_space<vmem>>) dst(%dma_wait3A_118 : memref<128x128xf32, #tpu.memory_space<hbm>>)
        tpu.yield
      }) : () -> ()
      %scan3A_110 = arith.constant 0 : i32
      scf.yield %scan3A_110 : i32
    }
    %scan3A_67 = arith.constant 32 : i32
    return
  }
}

module attributes {stable_mosaic.version = 14 : i64} {
  func.func @_fps_kernel(%arg0: memref<3x8x4096xf32, #tpu.memory_space<vmem>>, %arg1: memref<1024x24xf32, #tpu.memory_space<vmem>>) attributes {dimension_semantics = [], scalar_prefetch = 0 : i64, scratch_operands = 0 : i64, tpu.core_type = #tpu.core_type<tc>} {
    %get3A = arith.constant 0 : index
    %get3A_0 = arith.constant 0 : index
    %get3A_1 = arith.constant 0 : index
    %get3A_2 = vector.load %arg0[%get3A, %get3A_0, %get3A_1] : memref<3x8x4096xf32, #tpu.memory_space<vmem>>, vector<3x8x4096xf32>
    %reshape3A = vector.shape_cast %get3A_2 : vector<3x8x4096xf32> to vector<24x4096xf32>
    %slice3A = vector.extract_strided_slice %reshape3A {offsets = [0, 0], sizes = [8, 4096], strides = [1, 1]} : vector<24x4096xf32> to vector<8x4096xf32>
    %slice3A_3 = vector.extract_strided_slice %reshape3A {offsets = [8, 0], sizes = [8, 4096], strides = [1, 1]} : vector<24x4096xf32> to vector<8x4096xf32>
    %slice3A_4 = vector.extract_strided_slice %reshape3A {offsets = [16, 0], sizes = [8, 4096], strides = [1, 1]} : vector<24x4096xf32> to vector<8x4096xf32>
    %iota3A = tpu.iota {dimensions = array<i32: 1>} : vector<8x4096xi32>
    %iota3A_5 = tpu.iota {dimensions = array<i32: 1>} : vector<1x24xi32>
    %iota3A_6 = tpu.iota {dimensions = array<i32: 0>} : vector<8x24xi32>
    %jit3A = arith.constant 8 : i32
    %eq3A = arith.constant 0 : i32
    %eq3A_7 = arith.cmpi eq, %jit3A, %eq3A : i32
    %jit3A_8 = arith.constant 1 : i32
    %select_n3A = arith.select %eq3A_7, %jit3A_8, %jit3A : i32
    %rem3A = vector.broadcast %select_n3A : i32 to vector<1x24xi32>
    %rem3A_9 = arith.remsi %iota3A_5, %rem3A : vector<1x24xi32>
    %ne3A = arith.constant 0 : i32
    %ne3A_10 = vector.broadcast %ne3A : i32 to vector<1x24xi32>
    %ne3A_11 = arith.cmpi ne, %rem3A_9, %ne3A_10 : vector<1x24xi32>
    %lt3A = arith.constant 0 : i32
    %lt3A_12 = vector.broadcast %lt3A : i32 to vector<1x24xi32>
    %lt3A_13 = arith.cmpi slt, %rem3A_9, %lt3A_12 : vector<1x24xi32>
    %lt3A_14 = arith.constant 0 : i32
    %lt3A_15 = arith.cmpi slt, %select_n3A, %lt3A_14 : i32
    %ne3A_16 = vector.broadcast %lt3A_15 : i1 to vector<1x24xi1>
    %ne3A_17 = vector.broadcast %ne3A_16 : vector<1x24xi1> to vector<1x24xi1>
    %ne3A_18 = arith.xori %lt3A_13, %ne3A_17 : vector<1x24xi1>
    %and3A = arith.andi %ne3A_18, %ne3A_11 : vector<1x24xi1>
    %add3A = vector.broadcast %select_n3A : i32 to vector<1x24xi32>
    %add3A_19 = arith.addi %rem3A_9, %add3A : vector<1x24xi32>
    %select_n3A_20 = arith.select %and3A, %add3A_19, %rem3A_9 : vector<1x24xi1>, vector<1x24xi32>
    %eq3A_21 = vector.broadcast %select_n3A_20 : vector<1x24xi32> to vector<8x24xi32>
    %eq3A_22 = arith.cmpi eq, %eq3A_21, %iota3A_6 : vector<8x24xi32>
    %convert_element_type3A = arith.extui %eq3A_22 : vector<8x24xi1> to vector<8x24xi32>
    %convert_element_type3A_23 = arith.sitofp %convert_element_type3A : vector<8x24xi32> to vector<8x24xf32>
    %broadcast_in_dim3A = arith.constant 1.000000e+10 : f32
    %broadcast_in_dim3A_24 = vector.broadcast %broadcast_in_dim3A : f32 to vector<8x4096xf32>
    %broadcast_in_dim3A_25 = arith.constant 0 : i32
    %broadcast_in_dim3A_26 = vector.broadcast %broadcast_in_dim3A_25 : i32 to vector<8x1xi32>
    %scan3A = arith.constant 0 : i32
    %scan3A_27 = arith.constant 1024 : i32
    %scan3A_28 = arith.addi %scan3A, %scan3A_27 : i32
    %scan3A_29 = arith.constant 1 : i32
    %scan3A_30:2 = scf.for %scan3A_32 = %scan3A to %scan3A_28 step %scan3A_29 iter_args(%scan3A_33 = %broadcast_in_dim3A_24, %scan3A_34 = %broadcast_in_dim3A_26) -> (vector<8x4096xf32>, vector<8x1xi32>)  : i32 {
      %eq3A_35 = vector.broadcast %scan3A_34 : vector<8x1xi32> to vector<8x4096xi32>
      %eq3A_36 = arith.cmpi eq, %iota3A, %eq3A_35 : vector<8x4096xi32>
      %convert_element_type3A_37 = arith.extui %eq3A_36 : vector<8x4096xi1> to vector<8x4096xi32>
      %convert_element_type3A_38 = arith.sitofp %convert_element_type3A_37 : vector<8x4096xi32> to vector<8x4096xf32>
      %dot_general3A = arith.constant dense<0.000000e+00> : vector<8x24xf32>
      %dot_general3A_39 = tpu.matmul %convert_element_type3A_38, %reshape3A, %dot_general3A {dimension_numbers = #tpu.dot_dimension_numbers<[1], [1], [0], [0], [0, 0, 1, 0], [], []>, precision = #tpu.contract_precision<fp32>, transpose_lhs_hint = false} : vector<8x4096xf32>, vector<24x4096xf32>, vector<8x24xf32> -> vector<8x24xf32>
      %mul3A = arith.mulf %dot_general3A_39, %convert_element_type3A_23 : vector<8x24xf32>
      %reduce_sum3A = arith.constant dense<0.000000e+00> : vector<24xf32>
      %reduce_sum3A_40 = vector.multi_reduction <add>, %mul3A, %reduce_sum3A [0] : vector<8x24xf32> to vector<24xf32>
      %broadcast_in_dim3A_41 = vector.shape_cast %reduce_sum3A_40 : vector<24xf32> to vector<1x24xf32>
      %swap3A = arith.index_cast %scan3A_32 : i32 to index
      %swap3A_42 = arith.constant 0 : index
      %swap3A_43 = vector.load %arg1[%swap3A, %swap3A_42] : memref<1024x24xf32, #tpu.memory_space<vmem>>, vector<1x24xf32>
      tpu.vector_store %arg1[%swap3A, %swap3A_42], %broadcast_in_dim3A_41 {strides = array<i32>} : memref<1024x24xf32, #tpu.memory_space<vmem>>, vector<1x24xf32>,
      %jit3A_44 = arith.constant 0.000000e+00 : f32
      %broadcast_in_dim3A_45 = vector.broadcast %jit3A_44 : f32 to vector<8x4096xf32>
      %select_n3A_46 = arith.select %eq3A_36, %slice3A, %broadcast_in_dim3A_45 : vector<8x4096xi1>, vector<8x4096xf32>
      %reduce_sum3A_47 = arith.constant dense<0.000000e+00> : vector<8xf32>
      %reduce_sum3A_48 = vector.multi_reduction <add>, %select_n3A_46, %reduce_sum3A_47 [1] : vector<8x4096xf32> to vector<8xf32>
      %broadcast_in_dim3A_49 = vector.shape_cast %reduce_sum3A_48 : vector<8xf32> to vector<8x1xf32>
      %jit3A_50 = arith.constant 0.000000e+00 : f32
      %broadcast_in_dim3A_51 = vector.broadcast %jit3A_50 : f32 to vector<8x4096xf32>
      %select_n3A_52 = arith.select %eq3A_36, %slice3A_3, %broadcast_in_dim3A_51 : vector<8x4096xi1>, vector<8x4096xf32>
      %reduce_sum3A_53 = arith.constant dense<0.000000e+00> : vector<8xf32>
      %reduce_sum3A_54 = vector.multi_reduction <add>, %select_n3A_52, %reduce_sum3A_53 [1] : vector<8x4096xf32> to vector<8xf32>
      %broadcast_in_dim3A_55 = vector.shape_cast %reduce_sum3A_54 : vector<8xf32> to vector<8x1xf32>
      %jit3A_56 = arith.constant 0.000000e+00 : f32
      %broadcast_in_dim3A_57 = vector.broadcast %jit3A_56 : f32 to vector<8x4096xf32>
      %select_n3A_58 = arith.select %eq3A_36, %slice3A_4, %broadcast_in_dim3A_57 : vector<8x4096xi1>, vector<8x4096xf32>
      %reduce_sum3A_59 = arith.constant dense<0.000000e+00> : vector<8xf32>
      %reduce_sum3A_60 = vector.multi_reduction <add>, %select_n3A_58, %reduce_sum3A_59 [1] : vector<8x4096xf32> to vector<8xf32>
      %broadcast_in_dim3A_61 = vector.shape_cast %reduce_sum3A_60 : vector<8xf32> to vector<8x1xf32>
      %sub3A = vector.broadcast %broadcast_in_dim3A_49 : vector<8x1xf32> to vector<8x4096xf32>
      %sub3A_62 = arith.subf %slice3A, %sub3A : vector<8x4096xf32>
      %sub3A_63 = vector.broadcast %broadcast_in_dim3A_55 : vector<8x1xf32> to vector<8x4096xf32>
      %sub3A_64 = arith.subf %slice3A_3, %sub3A_63 : vector<8x4096xf32>
      %sub3A_65 = vector.broadcast %broadcast_in_dim3A_61 : vector<8x1xf32> to vector<8x4096xf32>
      %sub3A_66 = arith.subf %slice3A_4, %sub3A_65 : vector<8x4096xf32>
      %mul3A_67 = arith.mulf %sub3A_62, %sub3A_62 : vector<8x4096xf32>
      %mul3A_68 = arith.mulf %sub3A_64, %sub3A_64 : vector<8x4096xf32>
      %add3A_69 = arith.addf %mul3A_67, %mul3A_68 : vector<8x4096xf32>
      %mul3A_70 = arith.mulf %sub3A_66, %sub3A_66 : vector<8x4096xf32>
      %add3A_71 = arith.addf %add3A_69, %mul3A_70 : vector<8x4096xf32>
      %min3A = arith.minimumf %scan3A_33, %add3A_71 : vector<8x4096xf32>
      %reduce_max3A = arith.constant dense<0xFF800000> : vector<8xf32>
      %reduce_max3A_72 = vector.multi_reduction <maximumf>, %min3A, %reduce_max3A [1] : vector<8x4096xf32> to vector<8xf32>
      %broadcast_in_dim3A_73 = vector.shape_cast %reduce_max3A_72 : vector<8xf32> to vector<8x1xf32>
      %eq3A_74 = vector.broadcast %broadcast_in_dim3A_73 : vector<8x1xf32> to vector<8x4096xf32>
      %eq3A_75 = arith.cmpf oeq, %min3A, %eq3A_74 : vector<8x4096xf32>
      %jit3A_76 = arith.constant 4096 : i32
      %broadcast_in_dim3A_77 = vector.broadcast %jit3A_76 : i32 to vector<8x4096xi32>
      %select_n3A_78 = arith.select %eq3A_75, %iota3A, %broadcast_in_dim3A_77 : vector<8x4096xi1>, vector<8x4096xi32>
      %reduce_min3A = arith.constant dense<2147483647> : vector<8xi32>
      %reduce_min3A_79 = vector.multi_reduction <minsi>, %select_n3A_78, %reduce_min3A [1] : vector<8x4096xi32> to vector<8xi32>
      %broadcast_in_dim3A_80 = vector.shape_cast %reduce_min3A_79 : vector<8xi32> to vector<8x1xi32>
      scf.yield %min3A, %broadcast_in_dim3A_80 : vector<8x4096xf32>, vector<8x1xi32>
    }
    %scan3A_31 = arith.constant 1024 : i32
    return
  }
}

module attributes {stable_mosaic.version = 14 : i64} {
  func.func @_mlp_kernel(%arg0: i32, %arg1: memref<4096x128xf32, #tpu.memory_space<vmem>>, %arg2: memref<128x3xf32, #tpu.memory_space<vmem>>, %arg3: memref<128x32xf32, #tpu.memory_space<vmem>>, %arg4: memref<1x32xf32, #tpu.memory_space<vmem>>, %arg5: memref<32x32xf32, #tpu.memory_space<vmem>>, %arg6: memref<1x32xf32, #tpu.memory_space<vmem>>, %arg7: memref<32x64xf32, #tpu.memory_space<vmem>>, %arg8: memref<1x64xf32, #tpu.memory_space<vmem>>, %arg9: memref<1x64x128xf32, #tpu.memory_space<vmem>>) attributes {dimension_semantics = [#tpu.dimension_semantics<arbitrary>], iteration_bounds = array<i64: 64>, scalar_prefetch = 0 : i64, scratch_operands = 0 : i64, tpu.core_type = #tpu.core_type<tc>, window_params = [{transform_indices = @transform_0, window_bounds = array<i64: 4096, 128>}, {transform_indices = @transform_1, window_bounds = array<i64: 128, 3>}, {pipeline_mode = #tpu.pipeline_mode<synchronous>, transform_indices = @transform_2, window_bounds = array<i64: 128, 32>}, {pipeline_mode = #tpu.pipeline_mode<synchronous>, transform_indices = @transform_3, window_bounds = array<i64: 1, 32>}, {pipeline_mode = #tpu.pipeline_mode<synchronous>, transform_indices = @transform_4, window_bounds = array<i64: 32, 32>}, {pipeline_mode = #tpu.pipeline_mode<synchronous>, transform_indices = @transform_5, window_bounds = array<i64: 1, 32>}, {pipeline_mode = #tpu.pipeline_mode<synchronous>, transform_indices = @transform_6, window_bounds = array<i64: 32, 64>}, {pipeline_mode = #tpu.pipeline_mode<synchronous>, transform_indices = @transform_7, window_bounds = array<i64: 1, 64>}, {transform_indices = @transform_8, window_bounds = array<i64: 1, 64, 128>}]} {
    %get3A = arith.constant 0 : index
    %get3A_0 = arith.constant 0 : index
    %get3A_1 = vector.load %arg1[%get3A, %get3A_0] : memref<4096x128xf32, #tpu.memory_space<vmem>>, vector<4096x128xf32>
    %get3A_2 = arith.constant 0 : index
    %get3A_3 = arith.constant 0 : index
    %get3A_4 = vector.load %arg2[%get3A_2, %get3A_3] : memref<128x3xf32, #tpu.memory_space<vmem>>, vector<128x3xf32>
    %get3A_5 = arith.constant 0 : index
    %get3A_6 = arith.constant 0 : index
    %get3A_7 = vector.load %arg3[%get3A_5, %get3A_6] : memref<128x32xf32, #tpu.memory_space<vmem>>, vector<128x32xf32>
    %get3A_8 = arith.constant 0 : index
    %get3A_9 = arith.constant 0 : index
    %get3A_10 = vector.load %arg4[%get3A_8, %get3A_9] : memref<1x32xf32, #tpu.memory_space<vmem>>, vector<1x32xf32>
    %slice3A = vector.extract_strided_slice %get3A_7 {offsets = [0, 0], sizes = [3, 32], strides = [1, 1]} : vector<128x32xf32> to vector<3x32xf32>
    %dot_general3A = arith.constant dense<0.000000e+00> : vector<128x32xf32>
    %dot_general3A_11 = tpu.matmul %get3A_4, %slice3A, %dot_general3A {dimension_numbers = #tpu.dot_dimension_numbers<[1], [0], [0], [1], [0, 0, 1, 1], [], []>, transpose_lhs_hint = false} : vector<128x3xf32>, vector<3x32xf32>, vector<128x32xf32> -> vector<128x32xf32>
    %sub3A = vector.broadcast %get3A_10 : vector<1x32xf32> to vector<128x32xf32>
    %sub3A_12 = arith.subf %sub3A, %dot_general3A_11 : vector<128x32xf32>
    %broadcast_in_dim3A = vector.shape_cast %sub3A_12 : vector<128x32xf32> to vector<128x1x32xf32>
    %broadcast_in_dim3A_13 = vector.shape_cast %broadcast_in_dim3A : vector<128x1x32xf32> to vector<128x1x32xf32>
    %broadcast_in_dim3A_14 = vector.broadcast %broadcast_in_dim3A_13 : vector<128x1x32xf32> to vector<128x32x32xf32>
    %reshape3A = vector.shape_cast %broadcast_in_dim3A_14 : vector<128x32x32xf32> to vector<4096x32xf32>
    %dot_general3A_15 = arith.constant dense<0.000000e+00> : vector<4096x32xf32>
    %dot_general3A_16 = tpu.matmul %get3A_1, %get3A_7, %dot_general3A_15 {dimension_numbers = #tpu.dot_dimension_numbers<[1], [0], [0], [1], [0, 0, 1, 1], [], []>, transpose_lhs_hint = false} : vector<4096x128xf32>, vector<128x32xf32>, vector<4096x32xf32> -> vector<4096x32xf32>
    %add3A = arith.addf %dot_general3A_16, %reshape3A : vector<4096x32xf32>
    %max3A = arith.constant 0.000000e+00 : f32
    %max3A_17 = vector.broadcast %max3A : f32 to vector<4096x32xf32>
    %max3A_18 = arith.maximumf %add3A, %max3A_17 : vector<4096x32xf32>
    %get3A_19 = arith.constant 0 : index
    %get3A_20 = arith.constant 0 : index
    %get3A_21 = vector.load %arg5[%get3A_19, %get3A_20] : memref<32x32xf32, #tpu.memory_space<vmem>>, vector<32x32xf32>
    %dot_general3A_22 = arith.constant dense<0.000000e+00> : vector<4096x32xf32>
    %dot_general3A_23 = tpu.matmul %max3A_18, %get3A_21, %dot_general3A_22 {dimension_numbers = #tpu.dot_dimension_numbers<[1], [0], [0], [1], [0, 0, 1, 1], [], []>, transpose_lhs_hint = false} : vector<4096x32xf32>, vector<32x32xf32>, vector<4096x32xf32> -> vector<4096x32xf32>
    %get3A_24 = arith.constant 0 : index
    %get3A_25 = arith.constant 0 : index
    %get3A_26 = vector.load %arg6[%get3A_24, %get3A_25] : memref<1x32xf32, #tpu.memory_space<vmem>>, vector<1x32xf32>
    %add3A_27 = vector.broadcast %get3A_26 : vector<1x32xf32> to vector<4096x32xf32>
    %add3A_28 = arith.addf %dot_general3A_23, %add3A_27 : vector<4096x32xf32>
    %max3A_29 = arith.constant 0.000000e+00 : f32
    %max3A_30 = vector.broadcast %max3A_29 : f32 to vector<4096x32xf32>
    %max3A_31 = arith.maximumf %add3A_28, %max3A_30 : vector<4096x32xf32>
    %get3A_32 = arith.constant 0 : index
    %get3A_33 = arith.constant 0 : index
    %get3A_34 = vector.load %arg7[%get3A_32, %get3A_33] : memref<32x64xf32, #tpu.memory_space<vmem>>, vector<32x64xf32>
    %dot_general3A_35 = arith.constant dense<0.000000e+00> : vector<4096x64xf32>
    %dot_general3A_36 = tpu.matmul %max3A_31, %get3A_34, %dot_general3A_35 {dimension_numbers = #tpu.dot_dimension_numbers<[1], [0], [0], [1], [0, 0, 1, 1], [], []>, transpose_lhs_hint = false} : vector<4096x32xf32>, vector<32x64xf32>, vector<4096x64xf32> -> vector<4096x64xf32>
    %get3A_37 = arith.constant 0 : index
    %get3A_38 = arith.constant 0 : index
    %get3A_39 = vector.load %arg8[%get3A_37, %get3A_38] : memref<1x64xf32, #tpu.memory_space<vmem>>, vector<1x64xf32>
    %add3A_40 = vector.broadcast %get3A_39 : vector<1x64xf32> to vector<4096x64xf32>
    %add3A_41 = arith.addf %dot_general3A_36, %add3A_40 : vector<4096x64xf32>
    %max3A_42 = arith.constant 0.000000e+00 : f32
    %max3A_43 = vector.broadcast %max3A_42 : f32 to vector<4096x64xf32>
    %max3A_44 = arith.maximumf %add3A_41, %max3A_43 : vector<4096x64xf32>
    %reshape3A_45 = vector.shape_cast %max3A_44 : vector<4096x64xf32> to vector<128x32x64xf32>
    %reduce_max3A = arith.constant dense<0xFF800000> : vector<128x64xf32>
    %reduce_max3A_46 = vector.multi_reduction <maximumf>, %reshape3A_45, %reduce_max3A [1] : vector<128x32x64xf32> to vector<128x64xf32>
    %transpose3A = tpu.transpose %reduce_max3A_46, [1, 0] : vector<128x64xf32> -> vector<64x128xf32>
    %broadcast_in_dim3A_47 = vector.shape_cast %transpose3A : vector<64x128xf32> to vector<1x64x128xf32>
    %swap3A = arith.constant 0 : index
    %swap3A_48 = arith.constant 0 : index
    %swap3A_49 = arith.constant 0 : index
    %swap3A_50 = vector.load %arg9[%swap3A, %swap3A_48, %swap3A_49] : memref<1x64x128xf32, #tpu.memory_space<vmem>>, vector<1x64x128xf32>
    tpu.vector_store %arg9[%swap3A, %swap3A_48, %swap3A_49], %broadcast_in_dim3A_47 {strides = array<i32>} : memref<1x64x128xf32, #tpu.memory_space<vmem>>, vector<1x64x128xf32>,
    return
  }
  func.func @transform_0(%arg0: i32) -> (i32, i32) {
    %c0_i32 = arith.constant 0 : i32
    %c0_i32_0 = arith.constant 0 : i32
    return %arg0, %c0_i32 : i32, i32
  }
  func.func @transform_1(%arg0: i32) -> (i32, i32) {
    %c0_i32 = arith.constant 0 : i32
    %c0_i32_0 = arith.constant 0 : i32
    return %arg0, %c0_i32 : i32, i32
  }
  func.func @transform_2(%arg0: i32) -> (i32, i32) {
    %c0_i32 = arith.constant 0 : i32
    %c0_i32_0 = arith.constant 0 : i32
    %c0_i32_1 = arith.constant 0 : i32
    return %c0_i32, %c0_i32_0 : i32, i32
  }
  func.func @transform_3(%arg0: i32) -> (i32, i32) {
    %c0_i32 = arith.constant 0 : i32
    %c0_i32_0 = arith.constant 0 : i32
    %c0_i32_1 = arith.constant 0 : i32
    return %c0_i32, %c0_i32_0 : i32, i32
  }
  func.func @transform_4(%arg0: i32) -> (i32, i32) {
    %c0_i32 = arith.constant 0 : i32
    %c0_i32_0 = arith.constant 0 : i32
    %c0_i32_1 = arith.constant 0 : i32
    return %c0_i32, %c0_i32_0 : i32, i32
  }
  func.func @transform_5(%arg0: i32) -> (i32, i32) {
    %c0_i32 = arith.constant 0 : i32
    %c0_i32_0 = arith.constant 0 : i32
    %c0_i32_1 = arith.constant 0 : i32
    return %c0_i32, %c0_i32_0 : i32, i32
  }
  func.func @transform_6(%arg0: i32) -> (i32, i32) {
    %c0_i32 = arith.constant 0 : i32
    %c0_i32_0 = arith.constant 0 : i32
    %c0_i32_1 = arith.constant 0 : i32
    return %c0_i32, %c0_i32_0 : i32, i32
  }
  func.func @transform_7(%arg0: i32) -> (i32, i32) {
    %c0_i32 = arith.constant 0 : i32
    %c0_i32_0 = arith.constant 0 : i32
    %c0_i32_1 = arith.constant 0 : i32
    return %c0_i32, %c0_i32_0 : i32, i32
  }
  func.func @transform_8(%arg0: i32) -> (i32, i32, i32) {
    %jit3A = arith.constant 8 : i32
    %div3A = arith.divsi %arg0, %jit3A : i32
    %sign3A = arith.constant 0 : i32
    %sign3A_0 = arith.cmpi sgt, %arg0, %sign3A : i32
    %sign3A_1 = arith.extui %sign3A_0 : i1 to i32
    %sign3A_2 = arith.constant 0 : i32
    %sign3A_3 = arith.cmpi slt, %arg0, %sign3A_2 : i32
    %sign3A_4 = arith.extui %sign3A_3 : i1 to i32
    %sign3A_5 = arith.subi %sign3A_1, %sign3A_4 : i32
    %sign3A_6 = arith.constant 0 : i32
    %sign3A_7 = arith.cmpi sgt, %jit3A, %sign3A_6 : i32
    %sign3A_8 = arith.extui %sign3A_7 : i1 to i32
    %sign3A_9 = arith.constant 0 : i32
    %sign3A_10 = arith.cmpi slt, %jit3A, %sign3A_9 : i32
    %sign3A_11 = arith.extui %sign3A_10 : i1 to i32
    %sign3A_12 = arith.subi %sign3A_8, %sign3A_11 : i32
    %ne3A = arith.cmpi ne, %sign3A_5, %sign3A_12 : i32
    %rem3A = arith.remsi %arg0, %jit3A : i32
    %ne3A_13 = arith.constant 0 : i32
    %ne3A_14 = arith.cmpi ne, %rem3A, %ne3A_13 : i32
    %and3A = arith.andi %ne3A, %ne3A_14 : i1
    %sub3A = arith.constant 1 : i32
    %sub3A_15 = arith.subi %div3A, %sub3A : i32
    %select_n3A = arith.select %and3A, %sub3A_15, %div3A : i32
    %jit3A_16 = arith.constant 8 : i32
    %eq3A = arith.constant 0 : i32
    %eq3A_17 = arith.cmpi eq, %jit3A_16, %eq3A : i32
    %jit3A_18 = arith.constant 1 : i32
    %select_n3A_19 = arith.select %eq3A_17, %jit3A_18, %jit3A_16 : i32
    %rem3A_20 = arith.remsi %arg0, %select_n3A_19 : i32
    %ne3A_21 = arith.constant 0 : i32
    %ne3A_22 = arith.cmpi ne, %rem3A_20, %ne3A_21 : i32
    %lt3A = arith.constant 0 : i32
    %lt3A_23 = arith.cmpi slt, %rem3A_20, %lt3A : i32
    %lt3A_24 = arith.constant 0 : i32
    %lt3A_25 = arith.cmpi slt, %select_n3A_19, %lt3A_24 : i32
    %ne3A_26 = arith.xori %lt3A_23, %lt3A_25 : i1
    %and3A_27 = arith.andi %ne3A_26, %ne3A_22 : i1
    %add3A = arith.addi %rem3A_20, %select_n3A_19 : i32
    %select_n3A_28 = arith.select %and3A_27, %add3A, %rem3A_20 : i32
    %c0_i32 = arith.constant 0 : i32
    %c0_i32_29 = arith.constant 0 : i32
    return %select_n3A, %c0_i32, %select_n3A_28 : i32, i32, i32
  }
}

</mosaic_0001>

<sc_bundles>
// kernel: kernel.5.cloned.1.call-start
scs
__scs_entry_jumppad:
0x0: {  	(pc) =	sbr.rel $0x88, $3  }
0x1: {  	(tag) =	ssettag $0x0;
	lr =	simm.s32 $0x1  }
0x2: {  	[smem:$0x3F99] =	sst lr;
	_ =	strace $0xD0000000  }
0x3: {  	_ = 	snop  }
0x4: {  	_ = 	snop  }
0x5: {  	_ = 	snop  }
0x6: {  	_ = 	snop  }
0x7: {  	_ = 	snop  }
__scs_overlays_trampoline_lowered:
0x8: {  	[smem:$0x3FA8] =	sst s0  }
0x9: {  	[smem:$0x3FA9] =	sst s1  }
0xa: {  	[smem:$0x3FAA] =	sst s2  }
0xb: {  	[smem:$0x3FAB] =	sst s3  }
0xc: {  	[smem:$0x3FAC] =	sst s4  }
0xd: {  	[smem:$0x3FAD] =	sst s5  }
0xe: {  	[smem:$0x3FAE] =	sst s6  }
0xf: {  	[smem:$0x3FAF] =	sst s7  }
0x10: {  	[smem:$0x3FB0] =	sst s8  }
0x11: {  	[smem:$0x3FB1] =	sst s9;
	s0 =	simm.s32 @!p0 $0x0  }
0x12: {  	s1 =	sld [smem:$0x3F97];
	s0 =	simm.s32 @p0 $0x1  }
0x13: {  	[smem:$0x3FB2] =	sst s0;
	s0 =	simm.s32 @!p1 $0x0  }
0x14: {  	s2 =	sld [smem:$0x3F96];
	s0 =	simm.s32 @p1 $0x1  }
0x15: {  	[smem:$0x3FB3] =	sst s0;
	s0 =	simm.s32 @!p2 $0x0  }
0x16: {  	s3 =	sld [smem:$0x3FDB];
	s0 =	simm.s32 @p2 $0x1  }
0x17: {  	s4 =	simm.s32 $0x1BF5;
	[smem:$0x3FB5] =	sst s0  }
0x18: {  	s0 =	sld [smem:$0x3F98];
	_ =	swait.ge [sflag:s4], $0x0  }
0x19: {  	s7 =	sld [smem:$0x3F99]  }
0x1a: {  	s8 =	sadd.s32 $0xFFFFE003, lr  }
0x1b: {  	s9 =	sadd.s32 $0xFFFFFEF7, lr;
	s5 =	simm.s32 $0xFFFFFFFF;
	p2 =	slt.u32 s8, $0xFFFFF086  }
0x1c: {  	p1 =	slt.u32 s9, $0xF7A;
	s5 =	simm.s32 @!p2 $0x0  }
0x1d: {  	s5 =	simm.s32 @p1 $0x1;
	p0 =	seq.s32 s7, s2  }
0x1e: {  	s7 =	smul.u32 @!p0 $0xF7A, s2;
	p2 =	seq.s32 @!p0 s5, $0x0  }
0x1f: {  	s9 =	smul.u32 $0xF7A, s1;
	s8 =	simm.s32 @!p0 $0x1BF5;
	p2 =	por !p2, p0  }
0x20: {  	[sflag:s8] =	ssyncset.s32 @!p0 $0xFFFFF086;
	s6 =	sadd.s32 @!p0 s3, s7;
	s7 =	simm.s32 @!p0 $0x108  }
0x21: {  	s3 =	sadd.s32 s3, s9;
	s6 =	sadd.s32 @!p0 $0x88, s6;
	s7 =	simm.s32 @p2 $0x1082  }
0x22: {  	[simem:s7], [sflag:s8] =	dma.local @!p0 [hbm:s6], $0xF7A  }
0x23: {  	s9 =	sor.u32 $0xD0000000, s2;
	s6 =	simm.s32 $0x108;
	_ =	swait.ge @!p0 [sflag:s8], $0x0  }
0x24: {  	s3 =	sadd.s32 $0x88, s3;
	s6 =	simm.s32 @!p1 $0x1082;
	[sflag:s4] =	ssyncset.s32 $0xFFFFF086  }
0x25: {  	[simem:s6], [sflag:s4] =	dma.local [hbm:s3], $0xF7A  }
0x26: {  	[smem:$0x3F99] =	sst s1;
	(tag) =	ssettag s2;
	_ =	strace s9  }
0x27: {  	s1 =	sld [smem:$0x3FA9]  }
0x28: {  	s2 =	sld [smem:$0x3FAA]  }
0x29: {  	s4 =	sld [smem:$0x3FAC]  }
0x2a: {  	p0 =	seq.s32 s5, $0x0;
	s5 =	sld [smem:$0x3FAD]  }
0x2b: {  	s6 =	sld [smem:$0x3FAE]  }
0x2c: {  	s7 =	sld [smem:$0x3FAF]  }
0x2d: {  	s3 =	simm.s32 $0x108;
	s8 =	sld [smem:$0x3FB0]  }
0x2e: {  	s3 =	simm.s32 @!p0 $0x1082;
	s9 =	sld [smem:$0x3FB1]  }
0x2f: {  	lr =	sadd.s32 s0, s3;
	s0 =	sld [smem:$0x3FA8]  }
0x30: {  	s3 =	sld [smem:$0x3FAB]  }
0x31: {  	[smem:$0x3FB4] =	sst s10  }
0x32: {  	s10 =	sld [smem:$0x3FB2];
	_ =	sdelay $0x3  }
0x33: {  	p0 =	seq.s32 s10, $0x1;
	s10 =	sld [smem:$0x3FB4];
	_ =	sdelay $0x3  }
0x34: {  	[smem:$0x3FB4] =	sst s10  }
0x35: {  	s10 =	sld [smem:$0x3FB3];
	_ =	sdelay $0x3  }
0x36: {  	p1 =	seq.s32 s10, $0x1;
	s10 =	sld [smem:$0x3FB4];
	_ =	sdelay $0x3  }
0x37: {  	[smem:$0x3FB4] =	sst s10  }
0x38: {  	s10 =	sld [smem:$0x3FB5]  }
0x39: {  	_ = 	snop;
	(pc) =	sbr.ind lr, $3  }
0x3a: {  	_ = 	snop  }
0x3b: {  	_ = 	snop  }
0x3c: {  	p2 =	seq.s32 s10, $0x1;
	s10 =	sld [smem:$0x3FB4]  }
0x3d: {  	_ =	shalt  }
0x3e: {  	_ =	shalt  }
0x3f: {  	_ =	shalt  }
0x40: {  	_ =	shalt  }
0x41: {  	_ =	shalt  }
0x42: {  	_ =	shalt  }
0x43: {  	_ =	shalt  }
0x44: {  	_ =	shalt  }
0x45: {  	_ =	shalt  }
0x46: {  	_ =	shalt  }
0x47: {  	_ =	shalt  }
0x48: {  	_ =	shalt  }
0x49: {  	_ =	shalt  }
0x4a: {  	_ =	shalt  }
0x4b: {  	_ =	shalt  }
0x4c: {  	_ =	shalt  }
0x4d: {  	_ =	shalt  }
0x4e: {  	_ =	shalt  }
0x4f: {  	_ =	shalt  }
0x50: {  	_ =	shalt  }
0x51: {  	_ =	shalt  }
0x52: {  	_ =	shalt  }
0x53: {  	_ =	shalt  }
0x54: {  	_ =	shalt  }
0x55: {  	_ =	shalt  }
0x56: {  	_ =	shalt  }
0x57: {  	_ =	shalt  }
0x58: {  	_ =	shalt  }
0x59: {  	_ =	shalt  }
0x5a: {  	_ =	shalt  }
0x5b: {  	_ =	shalt  }
0x5c: {  	_ =	shalt  }
0x5d: {  	_ =	shalt  }
0x5e: {  	_ =	shalt  }
0x5f: {  	_ =	shalt  }
0x60: {  	_ =	shalt  }
0x61: {  	_ =	shalt  }
0x62: {  	_ =	shalt  }
0x63: {  	_ =	shalt  }
0x64: {  	_ =	shalt  }
0x65: {  	_ =	shalt  }
0x66: {  	_ =	shalt  }
0x67: {  	_ =	shalt  }
0x68: {  	_ =	shalt  }
0x69: {  	_ =	shalt  }
0x6a: {  	_ =	shalt  }
0x6b: {  	_ =	shalt  }
0x6c: {  	_ =	shalt  }
0x6d: {  	_ =	shalt  }
0x6e: {  	_ =	shalt  }
0x6f: {  	_ =	shalt  }
0x70: {  	_ =	shalt  }
0x71: {  	_ =	shalt  }
0x72: {  	_ =	shalt  }
0x73: {  	_ =	shalt  }
0x74: {  	_ =	shalt  }
0x75: {  	_ =	shalt  }
0x76: {  	_ =	shalt  }
0x77: {  	_ =	shalt  }
0x78: {  	_ =	shalt  }
0x79: {  	_ =	shalt  }
0x7a: {  	_ =	shalt  }
0x7b: {  	_ =	shalt  }
0x7c: {  	_ =	shalt  }
0x7d: {  	_ =	shalt  }
0x7e: {  	_ =	shalt  }
0x7f: {  	_ =	shalt  }
0x80: {  	_ =	shalt  }
0x81: {  	_ =	shalt  }
0x82: {  	_ =	shalt  }
0x83: {  	_ =	shalt  }
0x84: {  	_ =	shalt  }
0x85: {  	_ =	shalt  }
0x86: {  	_ =	shalt  }
0x87: {  	_ =	shalt  }
.Lfunc_end0:
.L_simem_size_0:
called_computation_lowered:
.L_overlay_start_0:
0x88: {  	s2 =	sld [smem:$0x3FD9]  }
0x89: {  	s3 =	sld [smem:$0x3FFE];
	_ =	sdelay $0x1  }
0x8a: {  	s1 =	srdreg.scid  }
0x8b: {  	s0 =	sand.u32 $0x1, s1  }
0x8c: {  	s16 =	sshll.u32 s0, $0xA;
	s2 =	sadd.s32 s3, s2  }
0x8d: {  	s2 =	sadd.s32 s2, s16  }
0x8e: {  	[smem:$0x3FC0] =	sst s2  }
0x8f: {  	_ = 	snop  }
0x90: {  	(tm) =	ssettm $0x1  }
0x91: {  	s17 =	sld [smem:$0x3FFB];
	_ =	sdelay $0x3  }
0x92: {  	_ =	strace s17  }
0x93: {  	s2 =	sld [smem:$0x3FFC];
	_ =	sdelay $0x3  }
0x94: {  	_ =	strace s2  }
0x95: {  	s2 =	sld [smem:$0x3FFD];
	_ =	sdelay $0x3  }
0x96: {  	_ =	strace s2  }
0x97: {  	_ =	strace $0x8FFFFFFF  }
0x98: {  	s18 =	sld [smem:$0x3FDB];
	_ =	sdelay $0x1  }
0x99: {  	s19 =	simm.s32 $_scs_section_size  }
0x9a: {  	s4 =	simm.s32 $_size__tile_overlayer_lowered;
	s5 =	simm.s32 $_tile_overlayer_lowered  }
0x9b: {  	s22 =	simm.s32 $0x1BFF;
	s21 =	sshll.u32 s5, $0x1;
	s2 =	sadd.s32 s19, s18  }
0x9c: {  	s6 =	simm.s32 $0x0;
	s20 =	sshll.u32 s4, $0x1;
	s4 =	sadd.s32 s21, s2  }
0x9d: {  	[timem:s6], [sflag:s22] =	dma.local [hbm:s4], s20  }
0x9e: {  	_ =	swait.ge [sflag:s22], s20  }
0x9f: {  	s3 =	ssub.s32 $0x0, s20;
	[sflag:s22] =	ssyncset.done $0x0  }
0xa0: {  	[sflag:s22] =	ssyncadd.s32 s3;
	_ =	sdelay $0x1  }
0xa1: {  	s23 =	simm.s32 $0x1B8B  }
0xa2: {  	_ =	swait.ge [sflag:s23], $0x1  }
0xa3: {  	[sflag:s23] =	ssyncset.done $0x0  }
0xa4: {  	s25 =	simm.s32 $0x1B8E;
	s24 =	sld [smem:$0x3FFE];
	[sflag:s23] =	ssyncadd.s32 $0xFFFFFFFF  }
0xa5: {  	s26 =	simm.s32 $execute0_lowered;
	[smem:$0x3FD2] =	sst s25  }
0xa6: {  	s4 =	sshll.u32 s26, $0x1;
	_ =	strace $0x80000046;
	[dreg:$0x1] =	wrdreg $0xFFFFFFFF  }
0xa7: {  	s28 =	simm.s32 $_size_execute0_lowered;
	s2 =	sadd.s32 s2, s4;
	[dreg:$0x0] =	wrdreg $0x0  }
0xa8: {  	s4 =	sshll.u32 s28, $0x1;
	[dreg:$0x2] =	wrdreg s2  }
0xa9: {  	[dreg:$0x3] =	wrdreg s4  }
0xaa: {  	[dreg:$0x4] =	wrdreg $0xC0  }
0xab: {  	_ =	task [dreg:s6], $0x5FFFF  }
0xac: {  	[dreg:$0x1] =	wrdreg $0xFFFFFFFF  }
0xad: {  	[dreg:$0x0] =	wrdreg $0x60  }
0xae: {  	[dreg:$0x2] =	wrdreg s24  }
0xaf: {  	[dreg:$0x3] =	wrdreg $0x9  }
0xb0: {  	_ =	task.clear_ibuf [dreg:s6], $0x4FFFF;
	_ =	strace $0x90000046  }
0xb1: {  	s29 =	simm.s32 $0x9;
	_ =	strace $0x80000048  }
0xb2: {  	_ =	swait.ge [sflag:s29], $0x1  }
0xb3: {  	[sflag:s29] =	ssyncadd.s32 $0xFFFFFFFF  }
0xb4: {  	_ =	strace $0x90000048  }
0xb5: {  	_ =	sfence  }
0xb6: {  	s30 =	sld [smem:$0x0];
	_ =	sdelay $0x2  }
0xb7: {  	s31 =	sshll.u32 s1, $0xD;
	s1 =	sshrl.u32 s1, $0x2  }
0xb8: {  	s3 =	sand.u32 $0x4000, s31;
	s1 =	sadd.s32 s1, s30  }
0xb9: {  	s0 =	sor.u32 s3, s0;
	s1 =	sshll.u32 s1, $0x11  }
0xba: {  	s0 =	sor.u32 s1, s0  }
0xbb: {  	s0 =	sadd.s32 $0x8F2B, s0  }
0xbc: {  	[sflag:s0] =	ssyncadd.remote.s32 $0x1  }
0xbd: {  	_ =	sfence.sel $0xFFFF  }
0xbe: {  	[dreg:$0x0] =	wrdreg $0xFFFFFFFF;
	(pc) =	sbr.abs _section_cstart, $3  }
0xbf: {  	[dreg:$0x1] =	wrdreg $0xFFFFFFFF  }
0xc0: {  	_ =	task.clear_ibuf [dreg:s6], $0x2FFFF;
	_ =	strace $0x9FFFFFFF  }
0xc1: {  	(tm) =	ssettm $0x7FFFFFFF  }
tec
execute0_lowered:
.L_overlay_start_1:
0x0: {  	(tag) =	ssettag $0x1  }
0x1: {  	s9 =	stileid.u32  }
0x2: {  	s0 =	rddreg [dreg:$0x0];
	s1 =	srdreg.scid;
	s15 =	simm.s32 $0x3  }
0x3: {  	s18 =	simm.s32 $0x7000;
	s19 =	simm.s32 $0x7100;
	s20 =	simm.s32 $0x7200  }
0x4: {  	s29 =	simm.s32 $0x0;
	s2 =	sshll.u32 s9, $0x1;
	s1 =	sand.u32 $0x1, s1  }
0x5: {  	s4 =	sshrl.u32 s9, $0x1;
	s28 =	sand.u32 $0x1, s9;
	s3 =	sand.u32 $0x2, s2  }
0x6: {  	s2 =	simm.s32 $0x0;
	s5 =	sshll.u32 s4, $0xA;
	s21 =	sshll.u32 s4, $0x9  }
0x7: {  	s7 =	ssub.s32 $0x2, s1;
	s31 =	sshll.u32 s28, $0x12;
	s3 =	sor.u32 s1, s3  }
0x8: {  	[smem:$0x7FF] =	sst s2;
	s8 =	sadd.s32 s21, s0;
	s22 =	sshrl.u32 s7, $0x1  }
0x9: {  	s1 =	sshll.u32 s1, $0x11;
	s21 =	simm.s32 $0x7300;
	s3 =	sshll.u32 s3, $0x8  }
0xa: {  	_ =	strace $0x80000047;
	s7 =	ssub.s32 s7, s22;
	s11 =	sadd.s32 $0x8AA00, s8  }
0xb: {  	s23 =	sadd.s32 $0x8BA00, s8;
	s8 =	sadd.s32 $0x8CA00, s8;
	[dreg:$0x2] =	wrdreg s11  }
0xc: {  	s22 =	simm.s32 $0x80;
	s5 =	sor.u32 s5, s3;
	[dreg:$0x3] =	wrdreg s23  }
0xd: {  	s3 =	sadd.s32 $0x8EE00, s0;
	[dreg:$0x4] =	wrdreg s8;
	s7 =	smax.u32 s7, $0x1  }
0xe: {  	s23 =	simm.s32 $0x9300;
	s6 =	sshrl.u32 s5, $0x3;
	s5 =	sshll.u32 s5, $0x9  }
0xf: {  	[dreg:$0x8] =	wrdreg s7;
	s10 =	sadd.s32 s6, s0;
	s0 =	sadd.s32 $0x10EE00, s0  }
0x10: {  	s6 =	sshll.u32 s4, $0xC;
	s4 =	sshll.u32 s4, $0x13;
	s24 =	sadd.s32 $0x8DE00, s10  }
0x11: {  	s25 =	sadd.s32 $0x8E600, s10;
	s26 =	sadd.s32 $0x8EA00, s10;
	[dreg:$0x5] =	wrdreg s24  }
0x12: {  	s5 =	sadd.s32 s0, s5;
	s0 =	sadd.s32 s4, s0;
	[dreg:$0x6] =	wrdreg s25  }
0x13: {  	v1 =	vlaneseq.u32;
	[dreg:$0x7] =	wrdreg s26;
	s30 =	sadd.s32 $0x1F000, s5;
	s13 =	sadd.s32 $0x1F800, s5  }
0x14: {  	v2 =	vadd.s32 $0x1, v1;
	s0 =	sadd.s32 s31, s0;
	s24 =	simm.s32 $0xD300;
	s25 =	simm.s32 $0x1  }
0x15: {  	v3 =	vadd.s32 $0x11, v1;
	v4 =	vor.u32 $0x10, v1;
	v0 =	vmov s6;
	s26 =	simm.s32 $0x2;
	[dreg:$0x9] =	wrdreg s30;
	s14 =	sadd.s32 s1, s0  }
.LBB2_1:
0x16: {  	s0 =	rddreg [dreg:$0x2]  }
0x17: {  	[tilespmem:s2], [sflag:$0x3] =	stream.linear.gather [hbm4b:s0+s2], $0x1000, $0x38;
	[tilespmem:$0x11300] =	vst v63  }
0x18: {  	_ =	swait.ge [sflag:s15], $0x1000  }
0x19: {  	[sflag:s15] =	ssyncset.done $0x0  }
0x1a: {  	s1 =	simm.s32 $0x1000;
	s12 =	rddreg [dreg:$0x3];
	[sflag:s15] =	ssyncadd.s32 $0xFFFFF000  }
0x1b: {  	[tilespmem:s1], [sflag:$0x3] =	stream.linear.gather [hbm4b:s12+s2], $0x1000, $0x38;
	[tilespmem:$0x11300] =	vst v63  }
0x1c: {  	_ =	swait.ge [sflag:s15], $0x1000  }
0x1d: {  	[sflag:s15] =	ssyncset.done $0x0  }
0x1e: {  	s17 =	simm.s32 $0x2000;
	s16 =	rddreg [dreg:$0x4];
	[sflag:s15] =	ssyncadd.s32 $0xFFFFF000  }
0x1f: {  	[tilespmem:s17], [sflag:$0x3] =	stream.linear.gather [hbm4b:s16+s2], $0x1000, $0x38;
	[tilespmem:$0x11300] =	vst v63  }
0x20: {  	_ =	swait.ge [sflag:s15], $0x1000  }
0x21: {  	[sflag:s15] =	ssyncset.done $0x0  }
0x22: {  	s28 =	rddreg [dreg:$0x5];
	[sflag:s15] =	ssyncadd.s32 $0xFFFFF000  }
0x23: {  	[tilespmem:s18], [sflag:$0x3] =	stream.linear.gather [hbm4b:s28+s2], $0x100, $0x38;
	[tilespmem:$0x11300] =	vst v63  }
0x24: {  	_ =	swait.ge [sflag:s15], $0x100  }
0x25: {  	[sflag:s15] =	ssyncset.done $0x0  }
0x26: {  	s30 =	rddreg [dreg:$0x6];
	[sflag:s15] =	ssyncadd.s32 $0xFFFFFF00  }
0x27: {  	[tilespmem:s19], [sflag:$0x3] =	stream.linear.gather [hbm4b:s30+s2], $0x100, $0x38;
	[tilespmem:$0x11300] =	vst v63  }
0x28: {  	_ =	swait.ge [sflag:s15], $0x100  }
0x29: {  	[sflag:s15] =	ssyncset.done $0x0  }
0x2a: {  	s31 =	rddreg [dreg:$0x7];
	[sflag:s15] =	ssyncadd.s32 $0xFFFFFF00  }
0x2b: {  	[tilespmem:s20], [sflag:$0x3] =	stream.linear.gather [hbm4b:s31+s2], $0x100, $0x38;
	[tilespmem:$0x11300] =	vst v63  }
0x2c: {  	_ =	swait.ge [sflag:s15], $0x100  }
0x2d: {  	[sflag:s15] =	ssyncset.done $0x0  }
0x2e: {  	s1 =	simm.s32 $0x0;
	[sflag:s15] =	ssyncadd.s32 $0xFFFFFF00  }
0x2f: {  	v5 =	vld [tilespmem:s1+$0x0]  }
0x30: {  	v6 =	vld [tilespmem:s1+$0x1000]  }
0x31: {  	v9 =	vld [tilespmem:s1+$0x2000];
	_ =	sdelay $0x3  }
0x32: {  	s0 =	simm.s32 $0x10;
	v8 =	vmul.f32 v5, v5;
	v10 =	vmul.f32 v6, v6;
	v11 =	vshrl.u32 v5, $0x10  }
0x33: {  	v7 =	vld [tilespmem:s0+$0x0];
	v12 =	vshrl.u32 v6, $0x10;
	v13 =	vmul.f32 v9, v9;
	v14 =	vshrl.u32 v9, $0x10  }
0x34: {  	v11 =	vand.u32 $0x1, v11;
	v12 =	vand.u32 $0x1, v12;
	v10 =	vadd.f32 v10, v8;
	v8 =	vld [tilespmem:s0+$0x1000]  }
0x35: {  	v11 =	vadd.s32 v11, v5;
	v6 =	vadd.s32 v12, v6;
	v12 =	vand.u32 $0x1, v14  }
0x36: {  	v5 =	vld [tilespmem:s0+$0x2000];
	v11 =	vadd.s32 $0x7FFF, v11;
	v9 =	vadd.s32 v12, v9  }
0x37: {  	v6 =	vadd.s32 $0x7FFF, v6;
	v10 =	vadd.f32 v13, v10;
	v11 =	vand.u32 $0xFFFF0000, v11  }
0x38: {  	v12 =	vshrl.u32 v7, $0x10;
	v9 =	vadd.s32 $0x7FFF, v9;
	v14 =	vand.u32 $0xFFFF0000, v6;
	[tilespmem:s1+$0x3000] =	vst v11  }
0x39: {  	s4 =	simm.s32 $0x20;
	[tilespmem:s1+$0x6000] =	vst v10;
	v10 =	vmul.f32 v7, v7;
	v11 =	vshrl.u32 v8, $0x10;
	v13 =	vmul.f32 v8, v8  }
0x3a: {  	s5 =	simm.s32 $0xC0;
	v12 =	vand.u32 $0x1, v12;
	v9 =	vand.u32 $0xFFFF0000, v9;
	v6 =	vld [tilespmem:s4+$0x0];
	[tilespmem:s1+$0x4000] =	vst v14;
	v11 =	vand.u32 $0x1, v11  }
.LBB2_2:
0x3b: {  	p0 =	sne.s32 s5, $0x3FC0;
	v14 =	vld [tilespmem:s4+$0x1000];
	v10 =	vadd.f32 v13, v10;
	v13 =	vmul.f32 v5, v5;
	v15 =	vshrl.u32 v5, $0x10;
	[tilespmem:s1+$0x5000] =	vst v9;
	s1 =	smov.u32 s0;
	s0 =	smov.u32 s4  }
0x3c: {  	v7 =	vadd.s32 v12, v7;
	v8 =	vadd.s32 v11, v8;
	v9 =	vand.u32 $0x1, v15  }
.Ltmp0:
0x3d: {  	v16 =	vadd.s32 $0x7FFF, v7;
	v10 =	vadd.f32 v13, v10;
	v9 =	vadd.s32 v9, v5;
	v5 =	vld [tilespmem:s0+$0x2000];
	(pc) =	sbr.rel @p0 .LBB2_2-.Ltmp0, $4  }
0x3e: {  	v11 =	vand.u32 $0xFFFF0000, v16;
	v13 =	vadd.s32 $0x7FFF, v8;
	v17 =	vadd.s32 $0x7FFF, v9  }
0x3f: {  	v15 =	vand.u32 $0xFFFF0000, v13;
	v12 =	vshrl.u32 v6, $0x10;
	[tilespmem:s1+$0x6000] =	vst v10;
	v9 =	vand.u32 $0xFFFF0000, v17;
	v7 =	vmovc v6  }
0x40: {  	s4 =	sshra.s32 s5, $0x2;
	v10 =	vmul.f32 v6, v7;
	v13 =	vmul.f32 v14, v14;
	v16 =	vshrl.u32 v14, $0x10;
	[tilespmem:s1+$0x3000] =	vst v11;
	v8 =	vmovc v14  }
0x41: {  	s5 =	sadd.s32 $0x40, s5;
	v12 =	vand.u32 $0x1, v12;
	v6 =	vld [tilespmem:s4+$0x0];
	v11 =	vand.u32 $0x1, v16;
	[tilespmem:s1+$0x4000] =	vst v15  }
0x42: {  	v14 =	vld [tilespmem:s4+$0x1000];
	v10 =	vadd.f32 v13, v10;
	[tilespmem:s1+$0x5000] =	vst v9;
	v54 =	vmul.f32 v5, v5  }
0x43: {  	v55 =	vshrl.u32 v5, $0x10;
	v7 =	vadd.s32 v12, v7;
	v8 =	vadd.s32 v11, v8;
	v56 =	vld [tilespmem:s4+$0x2000]  }
0x44: {  	v57 =	vand.u32 $0x1, v55;
	v7 =	vadd.s32 $0x7FFF, v7;
	v8 =	vadd.s32 $0x7FFF, v8  }
0x45: {  	v9 =	vadd.f32 v54, v10;
	v5 =	vadd.s32 v57, v5;
	v7 =	vand.u32 $0xFFFF0000, v7  }
0x46: {  	v8 =	vand.u32 $0xFFFF0000, v8;
	v5 =	vadd.s32 $0x7FFF, v5;
	v58 =	vmul.f32 v6, v6  }
0x47: {  	v60 =	vshrl.u32 v6, $0x10;
	v5 =	vand.u32 $0xFFFF0000, v5;
	v59 =	vmul.f32 v14, v14  }
0x48: {  	[tilespmem:s0+$0x3000] =	vst v7;
	v61 =	vshrl.u32 v14, $0x10;
	v7 =	vand.u32 $0x1, v60;
	v62 =	vmul.f32 v56, v56  }
0x49: {  	[tilespmem:s0+$0x6000] =	vst v9;
	v9 =	vand.u32 $0x1, v61;
	v6 =	vadd.s32 v7, v6;
	v10 =	vadd.f32 v59, v58  }
0x4a: {  	[tilespmem:s0+$0x5000] =	vst v5;
	v63 =	vshrl.u32 v56, $0x10;
	v5 =	vadd.s32 v9, v14;
	v6 =	vadd.s32 $0x7FFF, v6  }
0x4b: {  	[tilespmem:s0+$0x4000] =	vst v8;
	v8 =	vand.u32 $0x1, v63;
	v6 =	vand.u32 $0xFFFF0000, v6;
	v7 =	vadd.f32 v62, v10  }
0x4c: {  	v8 =	vadd.s32 v8, v56;
	v5 =	vadd.s32 $0x7FFF, v5;
	[tilespmem:s4+$0x3000] =	vst v6  }
0x4d: {  	v5 =	vand.u32 $0xFFFF0000, v5;
	[tilespmem:s4+$0x6000] =	vst v7;
	v7 =	vadd.s32 $0x7FFF, v8  }
0x4e: {  	[tilespmem:s4+$0x4000] =	vst v5;
	v6 =	vand.u32 $0xFFFF0000, v7  }
0x4f: {  	s30 =	simm.s32 $0x0;
	[tilespmem:s4+$0x5000] =	vst v6  }
.LBB2_4:
0x50: {  	v5 =	vmov s30;
	_ =	sdelay $0x4  }
0x51: {  	v6 =	vld.idx.msk [tilespmem:v5+s18+$0x0], $0xffff  }
0x52: {  	v7 =	vld.idx.msk [tilespmem:v5+s19+$0x0], $0xffff  }
0x53: {  	v5 =	vld.idx.msk [tilespmem:v5+s20+$0x0], $0xffff;
	_ =	sdelay $0x3  }
0x54: {  	v8 =	vshrl.u32 v6, $0x10;
	v9 =	vshrl.u32 v7, $0x10  }
0x55: {  	v10 =	vshrl.u32 v5, $0x10;
	v11 =	vmul.f32 v7, v7;
	v8 =	vand.u32 $0x1, v8  }
0x56: {  	v9 =	vand.u32 $0x1, v9;
	v8 =	vadd.s32 v8, v6;
	v6 =	vmul.f32 v6, v6  }
0x57: {  	v7 =	vadd.s32 v9, v7;
	v9 =	vand.u32 $0x1, v10;
	v8 =	vadd.s32 $0x7FFF, v8  }
0x58: {  	s31 =	sshll.u32 s30, $0x5;
	s0 =	simm.s32 $0x3020;
	s16 =	simm.s32 $0x4020;
	v9 =	vadd.s32 v9, v5;
	v10 =	vadd.f32 v11, v6;
	v11 =	vmul.f32 v5, v5  }
0x59: {  	s17 =	simm.s32 $0x5020;
	s5 =	simm.s32 $0x6020;
	s4 =	smov.u32 s6;
	v5 =	vand.u32 $0xFFFF0000, v8;
	v6 =	vadd.s32 $0x7FFF, v7;
	v7 =	vadd.s32 $0x7FFF, v9  }
0x5a: {  	s28 =	simm.s32 $0x0;
	s7 =	simm.s32 $0x0;
	s1 =	sadd.s32 $0xFFFFFFFF, s31;
	v6 =	vand.u32 $0xFFFF0000, v6;
	v7 =	vand.u32 $0xFFFF0000, v7;
	v8 =	vadd.f32 v11, v10  }
.LBB2_5:
0x5b: {  	v9 =	vld [tilespmem:s0+$0xFFFFFFE0]  }
0x5c: {  	v10 =	vld [tilespmem:s16+$0xFFFFFFE0]  }
0x5d: {  	v11 =	vld [tilespmem:s17+$0xFFFFFFE0]  }
0x5e: {  	v12 =	vld [tilespmem:s5+$0xFFFFFFE0]  }
0x5f: {  	v13 =	vld [tilespmem:s0+$0xFFFFFFF0]  }
0x60: {  	v14 =	vld [tilespmem:s16+$0xFFFFFFF0]  }
0x61: {  	v15 =	vld [tilespmem:s17+$0xFFFFFFF0]  }
0x62: {  	v16 =	vld [tilespmem:s0+$0x0]  }
0x63: {  	v17 =	vld [tilespmem:s16+$0x0]  }
0x64: {  	v18 =	vld [tilespmem:s0+$0x10]  }
0x65: {  	v19 =	vld [tilespmem:s16+$0x10]  }
0x66: {  	v20 =	vld [tilespmem:s5+$0xFFFFFFF0]  }
0x67: {  	v54 =	vld [tilespmem:s5+$0x0];
	v9 =	vmul.f32 v5, v9;
	v10 =	vmul.f32 v6, v10  }
0x68: {  	v55 =	vld [tilespmem:s5+$0x10]  }
0x69: {  	v13 =	vmul.f32 v5, v13;
	v9 =	vadd.f32 v10, v9;
	v10 =	vmul.f32 v7, v11;
	v11 =	vld [tilespmem:s17+$0x0]  }
0x6a: {  	v50 =	vld [tilespmem:s17+$0x10];
	v14 =	vmul.f32 v6, v14;
	v49 =	vmul.f32 v7, v15  }
0x6b: {  	v51 =	vmul.f32 v6, v17;
	v52 =	vmul.f32 v5, v18;
	v12 =	vadd.f32 v12, v8  }
0x6c: {  	v56 =	vadd.f32 v20, v8;
	v9 =	vadd.f32 v10, v9;
	v10 =	vmul.f32 v5, v16  }
0x6d: {  	v53 =	vmul.f32 v6, v19;
	v58 =	vadd.f32 v54, v8;
	v13 =	vadd.f32 v14, v13  }
0x6e: {  	v59 =	vadd.f32 v55, v8;
	v10 =	vadd.f32 v51, v10;
	v11 =	vmul.f32 v7, v11  }
0x6f: {  	v15 =	vmul.f32 v7, v50;
	v14 =	vadd.f32 v53, v52;
	v13 =	vadd.f32 v49, v13  }
0x70: {  	v9 =	vadd.f32 v9, v9;
	v10 =	vadd.f32 v11, v10  }
0x71: {  	v57 =	vadd.f32 v15, v14;
	v13 =	vadd.f32 v13, v13  }
0x72: {  	v9 =	vsub.f32 v12, v9;
	v10 =	vadd.f32 v10, v10  }
0x73: {  	v12 =	vadd.f32 v57, v57;
	v11 =	vsub.f32 v56, v13  }
0x74: {  	vm0 =	vle.f32 v9, $1.599999960e-01;
	v10 =	vsub.f32 v58, v10  }
0x75: {  	v12 =	vsub.f32 v59, v12;
	v60 =	vmpcnt.ones.xlane vm0;
	vm13 =	vle.f32 v11, $1.599999960e-01  }
0x76: {  	v61 =	vmpcnt.ones.xlane vm13;
	vm14 =	vle.f32 v10, $1.599999960e-01  }
0x77: {  	vm15 =	vle.f32 v12, $1.599999960e-01;
	(v2sf) =	vpush v60, $0x0;
	v62 =	vmpcnt.ones.xlane vm14  }
0x78: {  	v63 =	vmpcnt.ones.xlane vm15;
	(v2sf) =	vpush v61, $0x0  }
0x79: {  	(v2sf) =	vpush v62, $0x0  }
0x7a: {  	(v2sf) =	vpush v63, $0x0;
	_ =	sdelay $0xb  }
0x7b: {  	s8 =	spop (v2sf)  }
0x7c: {  	s9 =	spop (v2sf)  }
0x7d: {  	s11 =	sadd.s32 s8, s9;
	s10 =	spop (v2sf)  }
0x7e: {  	s12 =	spop (v2sf);
	s11 =	sadd.s32 s10, s11  }
0x7f: {  	s11 =	sadd.s32 s12, s11  }
0x80: {  	p0 =	slt.s32 s11, $0x1  }
0x81: {  	vm0 =	vle.f32 @!p0 v9, $1.599999960e-01;
	v9 =	vimm.s32 @!p0 $0x0  }
0x82: {  	vm1 =	vle.f32 @!p0 v11, $1.599999960e-01;
	v11 =	vsel @!p0 vm0, $0x1, v9  }
0x83: {  	vm2 =	vle.f32 @!p0 v10, $1.599999960e-01;
	v10 =	vsel @!p0 vm1, $0x1, v9;
	(xrf0) =	vadd.scan.msk.s32 @!p0 $0xffff, v11  }
0x84: {  	vm3 =	vle.f32 @!p0 v12, $1.599999960e-01;
	(xrf0) =	vadd.scan.msk.s32 @!p0 $0xffff, v10;
	v10 =	vsel @!p0 vm2, $0x1, v9  }
0x85: {  	v9 =	vsel @!p0 vm3, $0x1, v9;
	(xrf0) =	vadd.scan.msk.s32 @!p0 $0xffff, v10  }
0x86: {  	(xrf0) =	vadd.scan.msk.s32 @!p0 $0xffff, v9;
	_ =	sdelay $0x2  }
0x87: {  	v9, _, _ =	vpop @!p0 (xrf0)  }
0x88: {  	s12 =	sadd.s32 @!p0 s28, s1;
	s8 =	sadd.s32 @!p0 s28, s8;
	v10, _, _ =	vpop @!p0 (xrf0);
	v11 =	vadd.s32 @!p0 s28, v9  }
0x89: {  	s9 =	sadd.s32 @!p0 s8, s9;
	v9 =	vadd.s32 @!p0 s12, v9;
	v12, _, _ =	vpop @!p0 (xrf0);
	vm4 =	vlt.s32 @!p0 v11, $0x21;
	v11 =	vadd.s32 @!p0 s8, v10  }
0x8a: {  	s10 =	sadd.s32 @!p0 s9, s10;
	vm0 =	vmand @!p0 vm0, vm4;
	vm4 =	vlt.s32 @!p0 v11, $0x21;
	v11 =	vadd.s32 @!p0 s9, v12;
	v13, _, _ =	vpop @!p0 (xrf0)  }
0x8b: {  	s8 =	sadd.s32 @!p0 s8, s1;
	vm1 =	vmand @!p0 vm1, vm4;
	vm4 =	vlt.s32 @!p0 v11, $0x21;
	v11 =	vadd.s32 @!p0 s10, v13  }
0x8c: {  	p1 =	sgt.u32 s7, $0x3E;
	s28 =	sadd.s32 s28, s11;
	v10 =	vadd.s32 @!p0 s8, v10;
	s8 =	sadd.s32 @!p0 s9, s1;
	vm2 =	vmand @!p0 vm2, vm4;
	vm4 =	vlt.s32 @!p0 v11, $0x21  }
0x8d: {  	p2 =	slt.s32 @!p1 s28, $0x20;
	v11 =	vadd.s32 @!p0 s8, v12;
	s8 =	sadd.s32 @!p0 s10, s1;
	vm3 =	vmand @!p0 vm3, vm4  }
0x8e: {  	p1 =	por p1, !p2;
	v12 =	vlaneseq.u32 @!p0;
	v13 =	vadd.s32 @!p0 s8, v13  }
.Ltmp1:
0x8f: {  	s9 =	simm.s32 @!p0 $0x7300;
	v14 =	vor.u32 @!p0 s4, v12;
	s8 =	sadd.s32 @!p0 $0x10, s4;
	(pc) =	sbr.rel @!p1 .LBB2_5-.Ltmp1, $4  }
0x90: {  	[tilespmem:v9+s9+$0x0] =	vst.idx.msk @!p0 vm0, v14;
	v9 =	vor.u32 @!p0 s8, v12;
	s8 =	sadd.s32 @!p0 $0x20, s4  }
0x91: {  	[tilespmem:v10+s9+$0x0] =	vst.idx.msk @!p0 vm1, v9;
	v9 =	vor.u32 @!p0 s8, v12;
	s8 =	sadd.s32 @!p0 $0x30, s4  }
0x92: {  	s7 =	sadd.s32 $0x1, s7;
	s0 =	sadd.s32 $0x40, s0;
	s16 =	sadd.s32 $0x40, s16;
	[tilespmem:v11+s9+$0x0] =	vst.idx.msk @!p0 vm2, v9;
	v9 =	vor.u32 @!p0 s8, v12  }
0x93: {  	s5 =	sadd.s32 $0x40, s5;
	s17 =	sadd.s32 $0x40, s17;
	s4 =	sadd.s32 $0x40, s4;
	[tilespmem:v13+s9+$0x0] =	vst.idx.msk @!p0 vm3, v9  }
0x94: {  	v5 =	vmov s31;
	_ =	sdelay $0x3  }
0x95: {  	v6 =	vmov s28  }
0x96: {  	vm0 =	vlt.s32 v6, v2;
	v5 =	vld.idx.msk [tilespmem:v5+s21+$0x0], $0xffff  }
0x97: {  	v7 =	vor.u32 s31, v1;
	s30 =	sadd.s32 $0x1, s30;
	vm1 =	vlt.s32 v6, v3  }
0x98: {  	v8 =	vor.u32 s31, v4;
	p0 =	sne.s32 s30, $0x100  }
.Ltmp2:
0x99: {  	_ = 	snop;
	(pc) =	sbr.rel @p0 .LBB2_4-.Ltmp2, $4  }
0x9a: {  	vm2 =	vgt.s32 v6, $0x0  }
0x9b: {  	v5 =	vsel vm2, v5, v0  }
0x9c: {  	[tilespmem:v7+s21+$0x0] =	vst.idx.msk vm0, v5  }
0x9d: {  	[tilespmem:v8+s21+$0x0] =	vst.idx.msk vm1, v5  }
0x9e: {  	[tilespmem:s23], [sflag:$0x1] =	stream.indirect.gather [hbm4b:s3+s22], $0x80, s21, s22, $0xb8;
	[tilespmem:$0x11300] =	vst v63  }
0x9f: {  	s0 =	simm.s32 $0x7380  }
0xa0: {  	[tilespmem:s24], [sflag:$0x2] =	stream.indirect.gather [hbm4b:s3+s22], $0x80, s0, s22, $0xb8;
	[tilespmem:$0x11300] =	vst v63  }
0xa1: {  	_ =	swait.ge [sflag:s25], $0x4000  }
0xa2: {  	[sflag:s25] =	ssyncset.done $0x0  }
0xa3: {  	s31 =	sadd.s32 $0x0, s14;
	[sflag:s25] =	ssyncadd.s32 $0xFFFFC000  }
0xa4: {  	[hbm4b:s31+s2] =	stream.linear.scatter [tilespmem:s23], [sflag:$0x3], $0x4000, $0x38;
	[tilespmem:$0x11300] =	vst v63  }
0xa5: {  	_ =	swait.ge [sflag:s15], $0x4000  }
0xa6: {  	[sflag:s15] =	ssyncset.done $0x0  }
0xa7: {  	s1 =	simm.s32 $0x7400;
	[sflag:s15] =	ssyncadd.s32 $0xFFFFC000  }
0xa8: {  	[tilespmem:s23], [sflag:$0x1] =	stream.indirect.gather [hbm4b:s3+s22], $0x80, s1, s22, $0xb8;
	[tilespmem:$0x11300] =	vst v63  }
0xa9: {  	_ =	swait.ge [sflag:s26], $0x4000  }
0xaa: {  	[sflag:s26] =	ssyncset.done $0x0  }
0xab: {  	s0 =	sadd.s32 $0x800, s31;
	[sflag:s26] =	ssyncadd.s32 $0xFFFFC000  }
0xac: {  	[hbm4b:s0+s2] =	stream.linear.scatter [tilespmem:s24], [sflag:$0x3], $0x4000, $0x38;
	[tilespmem:$0x11300] =	vst v63  }
0xad: {  	s4 =	simm.s32 $0x2000;
	_ =	swait.ge [sflag:s15], $0x4000  }
0xae: {  	s1 =	simm.s32 $0x1000;
	s0 =	simm.s32 $0x7500;
	[sflag:s15] =	ssyncset.done $0x0  }
.LBB2_8:
0xaf: {  	p0 =	sne.s32 s4, $0x1E000;
	s5 =	sadd.s32 $0xFFFFFF80, s0;
	[sflag:s15] =	ssyncadd.s32 $0xFFFFC000  }
0xb0: {  	[tilespmem:s24], [sflag:$0x2] =	stream.indirect.gather [hbm4b:s3+s22], $0x80, s5, s22, $0xb8;
	[tilespmem:$0x11300] =	vst v63  }
0xb1: {  	s5 =	smov.u32 s4;
	s4 =	sadd.s32 $0x1000, s4;
	_ =	swait.ge [sflag:s25], $0x4000  }
0xb2: {  	[sflag:s25] =	ssyncset.done $0x0  }
0xb3: {  	s7 =	sadd.s32 s1, s14;
	s1 =	smov.u32 s5;
	[sflag:s25] =	ssyncadd.s32 $0xFFFFC000  }
0xb4: {  	[hbm4b:s7+s2] =	stream.linear.scatter [tilespmem:s23], [sflag:$0x3], $0x4000, $0x38;
	[tilespmem:$0x11300] =	vst v63  }
0xb5: {  	_ =	swait.ge [sflag:s15], $0x4000  }
0xb6: {  	[sflag:s15] =	ssyncset.done $0x0  }
0xb7: {  	[sflag:s15] =	ssyncadd.s32 $0xFFFFC000  }
0xb8: {  	[tilespmem:s23], [sflag:$0x1] =	stream.indirect.gather [hbm4b:s3+s22], $0x80, s0, s22, $0xb8;
	[tilespmem:$0x11300] =	vst v63  }
0xb9: {  	_ =	swait.ge [sflag:s26], $0x4000  }
.Ltmp3:
0xba: {  	[sflag:s26] =	ssyncset.done $0x0;
	(pc) =	sbr.rel @p0 .LBB2_8-.Ltmp3, $4  }
0xbb: {  	s5 =	sadd.s32 $0x800, s7;
	[sflag:s26] =	ssyncadd.s32 $0xFFFFC000  }
0xbc: {  	[hbm4b:s5+s2] =	stream.linear.scatter [tilespmem:s24], [sflag:$0x3], $0x4000, $0x38;
	[tilespmem:$0x11300] =	vst v63  }
0xbd: {  	_ =	swait.ge [sflag:s15], $0x4000  }
0xbe: {  	s0 =	sadd.s32 $0x100, s0;
	[sflag:s15] =	ssyncset.done $0x0  }
0xbf: {  	s4 =	sadd.s32 $0xFFFFFF80, s0;
	[sflag:s15] =	ssyncadd.s32 $0xFFFFC000  }
0xc0: {  	[tilespmem:s24], [sflag:$0x2] =	stream.indirect.gather [hbm4b:s3+s22], $0x80, s4, s22, $0xb8;
	[tilespmem:$0x11300] =	vst v63  }
0xc1: {  	_ =	swait.ge [sflag:s25], $0x4000  }
0xc2: {  	[sflag:s25] =	ssyncset.done $0x0  }
0xc3: {  	s1 =	sadd.s32 s1, s14;
	[sflag:s25] =	ssyncadd.s32 $0xFFFFC000  }
0xc4: {  	[hbm4b:s1+s2] =	stream.linear.scatter [tilespmem:s23], [sflag:$0x3], $0x4000, $0x38;
	[tilespmem:$0x11300] =	vst v63  }
0xc5: {  	_ =	swait.ge [sflag:s15], $0x4000  }
0xc6: {  	[sflag:s15] =	ssyncset.done $0x0  }
0xc7: {  	[sflag:s15] =	ssyncadd.s32 $0xFFFFC000  }
0xc8: {  	[tilespmem:s23], [sflag:$0x1] =	stream.indirect.gather [hbm4b:s3+s22], $0x80, s0, s22, $0xb8;
	[tilespmem:$0x11300] =	vst v63  }
0xc9: {  	_ =	swait.ge [sflag:s26], $0x4000  }
0xca: {  	[sflag:s26] =	ssyncset.done $0x0  }
0xcb: {  	s17 =	sadd.s32 $0x800, s1;
	[sflag:s26] =	ssyncadd.s32 $0xFFFFC000  }
0xcc: {  	[hbm4b:s17+s2] =	stream.linear.scatter [tilespmem:s24], [sflag:$0x3], $0x4000, $0x38;
	[tilespmem:$0x11300] =	vst v63  }
0xcd: {  	_ =	swait.ge [sflag:s15], $0x4000  }
0xce: {  	[sflag:s15] =	ssyncset.done $0x0  }
0xcf: {  	s28 =	simm.s32 $0x9280;
	[sflag:s15] =	ssyncadd.s32 $0xFFFFC000  }
0xd0: {  	[tilespmem:s24], [sflag:$0x2] =	stream.indirect.gather [hbm4b:s3+s22], $0x80, s28, s22, $0xb8;
	[tilespmem:$0x11300] =	vst v63  }
0xd1: {  	_ =	swait.ge [sflag:s25], $0x4000  }
0xd2: {  	[sflag:s25] =	ssyncset.done $0x0  }
0xd3: {  	s30 =	rddreg [dreg:$0x9];
	[sflag:s25] =	ssyncadd.s32 $0xFFFFC000  }
0xd4: {  	[hbm4b:s30+s2] =	stream.linear.scatter [tilespmem:s23], [sflag:$0x3], $0x4000, $0x38;
	[tilespmem:$0x11300] =	vst v63  }
0xd5: {  	_ =	swait.ge [sflag:s15], $0x4000  }
0xd6: {  	[sflag:s15] =	ssyncset.done $0x0  }
0xd7: {  	[sflag:s15] =	ssyncadd.s32 $0xFFFFC000  }
0xd8: {  	_ =	swait.ge [sflag:s26], $0x4000  }
0xd9: {  	[sflag:s26] =	ssyncset.done $0x0  }
0xda: {  	[sflag:s26] =	ssyncadd.s32 $0xFFFFC000  }
0xdb: {  	[hbm4b:s13+s2] =	stream.linear.scatter [tilespmem:s24], [sflag:$0x3], $0x4000, $0x38;
	[tilespmem:$0x11300] =	vst v63  }
0xdc: {  	_ =	swait.ge [sflag:s15], $0x4000  }
0xdd: {  	s29 =	sadd.s32 $0x1, s29;
	s31 =	rddreg [dreg:$0x8]  }
0xde: {  	p0 =	sne.s32 s29, s31  }
.Ltmp4:
0xdf: {  	_ = 	snop;
	(pc) =	sbr.rel @p0 .LBB2_1-.Ltmp4, $3  }
0xe0: {  	_ =	sdelay $0x1  }
0xe1: {  	[sflag:s15] =	ssyncset.done $0x0  }
0xe2: {  	[sflag:s15] =	ssyncadd.s32 $0xFFFFC000  }
0xe3: {  	_ =	sfence.sel $0x180000  }
0xe4: {  	[bflag:$0x0] =	sbarrier.arrive $0xFFFF  }
0xe5: {  	_ =	strace $0x90000047  }
0xe6: {  	s0 =	stileid.u32;
	[bflag:$0x2] =	sbarrier.arrive $0xFFFF  }
0xe7: {  	p0 =	sne.s32 s0, $0x0;
	s0 =	rddreg [dreg:$0x1]  }
0xe8: {  	s0 =	sadd.s32 @!p0 $0x100000, s0  }
0xe9: {  	[sflag:s0] =	ssyncadd.tile.s32 @!p0 $0x1;
	_ =	shalt  }
.Lfunc_end2:
_tile_overlayer_lowered:
.L_overlay_start_2:
0xea: {  	(tag) =	ssettag $0x2  }
0xeb: {  	s0 =	rddreg [dreg:$0x0];
	s2 =	stileid.u32  }
0xec: {  	s1 =	rddreg [dreg:$0x1];
	p0 =	sne.s32 s2, $0x0  }
0xed: {  	s3 =	rddreg [dreg:$0x2];
	[bflag:$0x3] =	sbarrier.arrive $0xFFFF;
	s2 =	simm.s32 @!p0 $0x1C03  }
0xee: {  	[timem:s3], [sflag:s2] =	dma.local @!p0 [hbm:s0], s1  }
0xef: {  	s0 =	simm.s32 @!p0 $0x3  }
0xf0: {  	_ =	swait.ge @!p0 [sflag:s0], s1  }
0xf1: {  	s1 =	ssub.s32 @!p0 $0x0, s1;
	[sflag:s0] =	ssyncset.done @!p0 $0x0  }
0xf2: {  	[sflag:s0] =	ssyncadd.s32 @!p0 s1  }
0xf3: {  	[bflag:$0x3] =	sbarrier.arrive $0xFFFF  }
0xf4: {  	_ =	shalt  }

</sc_bundles>
